<compile_context>
chip_gen: v7x
topology: tpu7x:2x2x1
jax: 0.10.2.dev20260603
libtpu: 0.0.44.dev20260713+nightly
codegen_flags: <defaults>
</compile_context>

<pallas_src>
import functools

import jax
import jax.numpy as jnp
from jax import lax
from jax.experimental import pallas as pl
from jax.experimental.pallas import tpu as pltpu
from jax.experimental.pallas import tpu_sc as plsc

N = 10000
E = 320000
D_IN = 128
D_OUT = 128
D_EDGE = 16

N_PAD = 10240
CHUNK = 128
NCH = 2528
CPW = NCH // 32
E_PAD = NCH * CHUNK
ROWS_PER_TILE = N_PAD // 16
_WB = ROWS_PER_TILE // CHUNK


def _dot_t(a, w):
    return lax.dot_general(a, w, (((1,), (1,)), ((), ())),
                           preferred_element_type=jnp.float32)



_BN = 1000
_BCH = 32


def _xw_body(x_ref, wmsg, o_ref):
    o_ref[...] = _dot_t(x_ref[...], wmsg[:, :D_IN])


def _xw(x, W_msg):
    return pl.pallas_call(
        _xw_body,
        grid=(N // _BN,),
        in_specs=[
            pl.BlockSpec((_BN, D_IN), lambda i: (i, 0)),
            pl.BlockSpec((D_OUT, D_IN + D_EDGE), lambda i: (0, 0)),
        ],
        out_specs=pl.BlockSpec((_BN, D_OUT), lambda i: (i, 0)),
        out_shape=jax.ShapeDtypeStruct((N, D_OUT), jnp.float32),
    )(x, W_msg)


def _efw_body(ef_ref, wmsg, o_ref):
    ef = ef_ref[...].reshape(_BCH * CHUNK, D_EDGE)
    o_ref[...] = _dot_t(ef, wmsg[:, D_IN:]).reshape(_BCH, CHUNK, D_OUT)


def _efw(ef3d, W_msg):
    return pl.pallas_call(
        _efw_body,
        grid=(NCH // _BCH,),
        in_specs=[
            pl.BlockSpec((_BCH, CHUNK, D_EDGE), lambda i: (i, 0, 0)),
            pl.BlockSpec((D_OUT, D_IN + D_EDGE), lambda i: (0, 0)),
        ],
        out_specs=pl.BlockSpec((_BCH, CHUNK, D_OUT), lambda i: (i, 0, 0)),
        out_shape=jax.ShapeDtypeStruct((NCH, CHUNK, D_OUT), jnp.float32),
    )(ef3d, W_msg)



def _sc_body(xw_hbm, efw_hbm, src_hbm, dst_hbm, zz_hbm,
             p_out,
             acc_sh, src_v, dst_v, xrow_v, efrow_v, sem):
    cid = lax.axis_index("c")
    sid = lax.axis_index("s")
    wid = sid * 2 + cid
    row0 = sid * ROWS_PER_TILE

    pltpu.sync_copy(zz_hbm, xrow_v)

    def zbody(r, carry):
        pltpu.sync_copy(xrow_v, acc_sh.at[pl.ds(row0 + r * CHUNK, CHUNK)])
        return carry

    lax.fori_loop(0, _WB, zbody, 0)
    plsc.subcore_barrier()

    base = wid * CPW

    def body(j, carry):
        ch = base + j
        pltpu.sync_copy(src_hbm.at[ch], src_v)
        pltpu.sync_copy(dst_hbm.at[ch], dst_v)
        pltpu.async_copy(xw_hbm.at[src_v], xrow_v, sem).wait()
        pltpu.sync_copy(xrow_v, acc_sh.at[dst_v], add=True)
        pltpu.sync_copy(efw_hbm.at[ch], efrow_v)
        pltpu.sync_copy(efrow_v, acc_sh.at[dst_v], add=True)
        return carry

    lax.fori_loop(0, CPW, body, 0)
    plsc.subcore_barrier()

    def obody(r, carry):
        rr = row0 + r * CHUNK
        pltpu.sync_copy(acc_sh.at[pl.ds(rr, CHUNK)], xrow_v)
        pltpu.sync_copy(xrow_v, p_out.at[cid, pl.ds(rr, CHUNK)])
        return carry

    lax.fori_loop(0, _WB, obody, 0)


@functools.cache
def _sc_aggregate():
    return pl.kernel(
        _sc_body,
        out_type=jax.ShapeDtypeStruct((2, N_PAD, D_OUT), jnp.float32),
        mesh=plsc.VectorSubcoreMesh(core_axis_name="c", subcore_axis_name="s"),
        scratch_types=[
            pltpu.VMEM_SHARED((N_PAD, D_OUT), jnp.float32),
            pltpu.VMEM((CHUNK,), jnp.int32),
            pltpu.VMEM((CHUNK,), jnp.int32),
            pltpu.VMEM((CHUNK, D_OUT), jnp.float32),
            pltpu.VMEM((CHUNK, D_OUT), jnp.float32),
            pltpu.SemaphoreType.DMA,
        ],
    )



def _dense_body(pp, x_ref, hp_ref, wskip, bskip, convb,
                wz, bz, wr, br, wh, bh, out_ref):
    aggr = pp[0] + pp[1]
    x = x_ref[...]
    hp = hp_ref[...]

    h = jnp.maximum(aggr + convb[...] + _dot_t(x, wskip[...]) + bskip[...],
                    0.0)

    w_z = wz[...]
    w_r = wr[...]
    w_h = wh[...]
    z = jax.nn.sigmoid(_dot_t(h, w_z[:, :D_OUT]) + _dot_t(hp, w_z[:, D_OUT:])
                       + bz[...])
    r = jax.nn.sigmoid(_dot_t(h, w_r[:, :D_OUT]) + _dot_t(hp, w_r[:, D_OUT:])
                       + br[...])
    h_tilde = jnp.tanh(_dot_t(h, w_h[:, :D_OUT])
                       + _dot_t(r * hp, w_h[:, D_OUT:]) + bh[...])
    out_ref[...] = z * hp + (1.0 - z) * h_tilde


def _dense(p_par, x, hp, W_skip, b_skip, conv_bias,
           W_z, b_z, W_r, b_r, W_h, b_h):
    full = lambda shape: pl.BlockSpec(shape, lambda i: (0,) * len(shape))
    return pl.pallas_call(
        _dense_body,
        grid=(N // _BN,),
        in_specs=[
            pl.BlockSpec((2, _BN, D_OUT), lambda i: (0, i, 0)),
            pl.BlockSpec((_BN, D_IN), lambda i: (i, 0)),
            pl.BlockSpec((_BN, D_OUT), lambda i: (i, 0)),
            full((D_OUT, D_IN)),
            full((1, D_OUT)),
            full((1, D_OUT)),
            full((D_OUT, D_IN + D_OUT)),
            full((1, D_OUT)),
            full((D_OUT, D_IN + D_OUT)),
            full((1, D_OUT)),
            full((D_OUT, D_IN + D_OUT)),
            full((1, D_OUT)),
        ],
        out_specs=pl.BlockSpec((_BN, D_OUT), lambda i: (i, 0)),
        out_shape=jax.ShapeDtypeStruct((N, D_OUT), jnp.float32),
    )(p_par, x, hp, W_skip, b_skip, conv_bias,
      W_z, b_z, W_r, b_r, W_h, b_h)


def kernel(x, edge_index, edge_feature, node_states,
           W_msg, W_skip, b_skip, conv_bias,
           W_z, b_z, W_r, b_r, W_h, b_h):
    pad = E_PAD - E
    src = jnp.concatenate([edge_index[0], jnp.zeros((pad,), jnp.int32)])
    dst = jnp.concatenate([edge_index[1], jnp.full((pad,), N, jnp.int32)])
    ef = jnp.concatenate(
        [edge_feature, jnp.zeros((pad, D_EDGE), jnp.float32)])
    src2d = src.reshape(NCH, CHUNK)
    dst2d = dst.reshape(NCH, CHUNK)
    ef3d = ef.reshape(NCH, CHUNK, D_EDGE)
    zz = jnp.zeros((CHUNK, D_OUT), jnp.float32)

    xw = _xw(x, W_msg)
    efw = _efw(ef3d, W_msg)
    p_par = _sc_aggregate()(xw, efw, src2d, dst2d, zz)

    return _dense(p_par, x, node_states, W_skip,
                  b_skip.reshape(1, -1), conv_bias.reshape(1, -1),
                  W_z, b_z.reshape(1, -1), W_r, b_r.reshape(1, -1),
                  W_h, b_h.reshape(1, -1))

# --- scband reference (transcript-rebuilt; emitter-appended) ---
"""Pipeline reference for scband-roland-layer-27410481283214 (READ-ONLY COPY).

The authoritative reference and input builder live on the scoring server;
editing this copy changes nothing except your own understanding.
"""

import jax, jax.numpy as jnp
import numpy as np

N = 10000
E = 320000
D_IN = 128
D_OUT = 128
D_EDGE = 16


def setup_inputs(seed: int = 0) -> dict:
    key = jax.random.key(seed)
    ks = jax.random.split(key, 16)
    x = jax.random.normal(ks[0], (N, D_IN), dtype=jnp.float32)
    edge_index = jax.random.randint(ks[1], (2, E), 0, N, dtype=jnp.int32)
    edge_feature = jax.random.normal(ks[2], (E, D_EDGE), dtype=jnp.float32)
    node_states = jax.random.normal(ks[3], (N, D_OUT), dtype=jnp.float32)
    # ResidualEdgeConvLayer params (msg_direction='single', skip_connection='affine', bias=True since has_bn=False)
    W_msg = jax.random.normal(ks[4], (D_OUT, D_IN + D_EDGE), dtype=jnp.float32) * 0.05
    W_skip = jax.random.normal(ks[5], (D_OUT, D_IN), dtype=jnp.float32) * 0.05
    b_skip = jax.random.normal(ks[6], (D_OUT,), dtype=jnp.float32) * 0.05
    conv_bias = jnp.zeros((D_OUT,), dtype=jnp.float32)
    # GRUUpdater params
    W_z = jax.random.normal(ks[7], (D_OUT, D_IN + D_OUT), dtype=jnp.float32) * 0.05
    b_z = jax.random.normal(ks[8], (D_OUT,), dtype=jnp.float32) * 0.05
    W_r = jax.random.normal(ks[9], (D_OUT, D_IN + D_OUT), dtype=jnp.float32) * 0.05
    b_r = jax.random.normal(ks[10], (D_OUT,), dtype=jnp.float32) * 0.05
    W_h = jax.random.normal(ks[11], (D_OUT, D_IN + D_OUT), dtype=jnp.float32) * 0.05
    b_h = jax.random.normal(ks[12], (D_OUT,), dtype=jnp.float32) * 0.05
    return {
        "x": x, "edge_index": edge_index, "edge_feature": edge_feature,
        "node_states": node_states,
        "W_msg": W_msg, "W_skip": W_skip, "b_skip": b_skip, "conv_bias": conv_bias,
        "W_z": W_z, "b_z": b_z, "W_r": W_r, "b_r": b_r, "W_h": W_h, "b_h": b_h,
    }


def reference(x, edge_index, edge_feature, node_states,
              W_msg, W_skip, b_skip, conv_bias,
              W_z, b_z, W_r, b_r, W_h, b_h):
    # --- ResidualEdgeConvLayer (normalize_adj=False -> norm=None, agg='add') ---
    src = edge_index[0]  # x_j source nodes
    dst = edge_index[1]  # aggregation targets
    x_j = jnp.take(x, src, axis=0)                                 # gather [E, D_IN]
    msg = jnp.concatenate([x_j, edge_feature], axis=-1) @ W_msg.T  # [E, D_OUT]
    aggr = jax.ops.segment_sum(msg, dst, num_segments=N)           # scatter-add [N, D_OUT]
    aggr = aggr + conv_bias
    skip_x = x @ W_skip.T + b_skip                                 # affine skip
    out = aggr + skip_x
    # --- post_layer: has_bn=False, dropout=0, has_act=True -> relu ---
    h = jax.nn.relu(out)
    # --- GRUUpdater ---
    H_prev = node_states
    cat1 = jnp.concatenate([h, H_prev], axis=1)
    Z = jax.nn.sigmoid(cat1 @ W_z.T + b_z)
    R = jax.nn.sigmoid(cat1 @ W_r.T + b_r)
    cat2 = jnp.concatenate([h, R * H_prev], axis=1)
    H_tilde = jnp.tanh(cat2 @ W_h.T + b_h)
    H_out = Z * H_prev + (1.0 - Z) * H_tilde
    return H_out

if __name__ == "__main__":
    import jax
    _d = setup_inputs()
    print(jax.jit(kernel)(*tuple(_d.values())))

</pallas_src>

<mosaic_0001>
#map = affine_map<(d0, d1) -> (0, 0)>
#map1 = affine_map<(d0, d1) -> (0, 0, 0)>
module attributes {stable_mosaic.version = 14 : i64} {
  func.func @_sc_body(%arg0: i32, %arg1: i32, %arg2: memref<10000x128xf32, #tpu.memory_space<hbm>>, %arg3: memref<2528x128x128xf32, #tpu.memory_space<hbm>>, %arg4: memref<2528x128xi32, #tpu.memory_space<hbm>>, %arg5: memref<2528x128xi32, #tpu.memory_space<hbm>>, %arg6: memref<128x128xf32, #tpu.memory_space<hbm>>, %arg7: memref<2x10240x128xf32, #tpu.memory_space<hbm>>, %arg8: memref<10240x128xf32, #tpu.memory_space<vmem_shared>>, %arg9: memref<128xi32, #tpu.memory_space<vmem>>, %arg10: memref<128xi32, #tpu.memory_space<vmem>>, %arg11: memref<128x128xf32, #tpu.memory_space<vmem>>, %arg12: memref<128x128xf32, #tpu.memory_space<vmem>>, %arg13: memref<!tpu.dma_semaphore, #tpu.memory_space<semaphore_mem>>) attributes {dimension_semantics = [#tpu.dimension_semantics<core_parallel>, #tpu.dimension_semantics<subcore_parallel>], iteration_bounds = array<i64: 2, 16>, scalar_prefetch = 0 : i64, scratch_operands = 6 : i64, tpu.core_type = #tpu.core_type<sc_vector_subcore>, window_params = [{transform_indices = #map}, {transform_indices = #map1}, {transform_indices = #map}, {transform_indices = #map}, {transform_indices = #map}, {transform_indices = #map1}]} {
    %mul3A = arith.constant 2 : i32
    %mul3A_0 = arith.muli %arg1, %mul3A : i32
    %add3A = arith.addi %mul3A_0, %arg0 : i32
    %mul3A_1 = arith.constant 640 : i32
    %mul3A_2 = arith.muli %arg1, %mul3A_1 : i32
    "tpu.region"() ({
      %run_scoped3A = tpu.sem_alloc : memref<!tpu.dma_semaphore, #tpu.memory_space<semaphore_mem>>
      tpu.enqueue_dma source(%arg6 : memref<128x128xf32, #tpu.memory_space<hbm>>) target(%arg11 : memref<128x128xf32, #tpu.memory_space<vmem>>) target_semaphore(%run_scoped3A : memref<!tpu.dma_semaphore, #tpu.memory_space<semaphore_mem>>)
      tpu.wait_dma2 semaphore(%run_scoped3A : memref<!tpu.dma_semaphore, #tpu.memory_space<semaphore_mem>>) src(%arg6 : memref<128x128xf32, #tpu.memory_space<hbm>>) dst(%arg11 : memref<128x128xf32, #tpu.memory_space<vmem>>)
      tpu.yield
    }) : () -> ()
    %scan3A = arith.constant 0 : i32
    %scan3A_3 = arith.constant 0 : i32
    %scan3A_4 = arith.constant 5 : i32
    %scan3A_5 = arith.addi %scan3A_3, %scan3A_4 : i32
    %scan3A_6 = arith.constant 1 : i32
    scf.for %scan3A_23 = %scan3A_3 to %scan3A_5 step %scan3A_6  : i32 {
      %mul3A_24 = arith.constant 128 : i32
      %mul3A_25 = arith.muli %scan3A_23, %mul3A_24 : i32
      %add3A_26 = arith.addi %mul3A_2, %mul3A_25 : i32
      "tpu.region"() ({
        %run_scoped3A = tpu.sem_alloc : memref<!tpu.dma_semaphore, #tpu.memory_space<semaphore_mem>>
        %dma_start3A = arith.constant 0 : i32
        %dma_start3A_27 = tpu.memref_slice %arg8[%add3A_26, %dma_start3A] : memref<10240x128xf32, #tpu.memory_space<vmem_shared>> -> memref<128x128xf32, #tpu.memory_space<vmem_shared>>
        %dma_start3A_28 = arith.constant 0 : i32
        %dma_start3A_29 = tpu.memref_slice %arg8[%add3A_26, %dma_start3A_28] : memref<10240x128xf32, #tpu.memory_space<vmem_shared>> -> memref<128x128xf32, #tpu.memory_space<vmem_shared>>
        tpu.enqueue_dma source(%arg11 : memref<128x128xf32, #tpu.memory_space<vmem>>) target(%dma_start3A_29 : memref<128x128xf32, #tpu.memory_space<vmem_shared>>) target_semaphore(%run_scoped3A : memref<!tpu.dma_semaphore, #tpu.memory_space<semaphore_mem>>)
        %dma_wait3A = arith.constant 0 : i32
        %dma_wait3A_30 = tpu.memref_slice %arg8[%add3A_26, %dma_wait3A] : memref<10240x128xf32, #tpu.memory_space<vmem_shared>> -> memref<128x128xf32, #tpu.memory_space<vmem_shared>>
        %dma_wait3A_31 = arith.constant 0 : i32
        %dma_wait3A_32 = tpu.memref_slice %arg8[%add3A_26, %dma_wait3A_31] : memref<10240x128xf32, #tpu.memory_space<vmem_shared>> -> memref<128x128xf32, #tpu.memory_space<vmem_shared>>
        tpu.wait_dma2 semaphore(%run_scoped3A : memref<!tpu.dma_semaphore, #tpu.memory_space<semaphore_mem>>) src(%arg11 : memref<128x128xf32, #tpu.memory_space<vmem>>) dst(%dma_wait3A_32 : memref<128x128xf32, #tpu.memory_space<vmem_shared>>)
        tpu.yield
      }) : () -> ()
    }
    %scan3A_7 = arith.constant 5 : i32
    %barrier3A = arith.constant 0 : index
    tpu.barrier barrier_id(%barrier3A)
    %mul3A_8 = arith.constant 79 : i32
    %mul3A_9 = arith.muli %add3A, %mul3A_8 : i32
    %scan3A_10 = arith.constant 0 : i32
    %scan3A_11 = arith.constant 0 : i32
    %scan3A_12 = arith.constant 79 : i32
    %scan3A_13 = arith.addi %scan3A_11, %scan3A_12 : i32
    %scan3A_14 = arith.constant 1 : i32
    scf.for %scan3A_23 = %scan3A_11 to %scan3A_13 step %scan3A_14  : i32 {
      %add3A_24 = arith.addi %mul3A_9, %scan3A_23 : i32
      "tpu.region"() ({
        %run_scoped3A = tpu.sem_alloc : memref<!tpu.dma_semaphore, #tpu.memory_space<semaphore_mem>>
        %dma_start3A_29 = arith.constant 0 : i32
        %dma_start3A_30 = tpu.memref_slice %arg4[%add3A_24, %dma_start3A_29] : memref<2528x128xi32, #tpu.memory_space<hbm>> -> memref<1x128xi32, #tpu.memory_space<hbm>>
        %dma_start3A_31 = tpu.memref_squeeze %dma_start3A_30 : memref<1x128xi32, #tpu.memory_space<hbm>> -> memref<128xi32, #tpu.memory_space<hbm>>
        %dma_start3A_32 = arith.constant 0 : i32
        %dma_start3A_33 = tpu.memref_slice %arg4[%add3A_24, %dma_start3A_32] : memref<2528x128xi32, #tpu.memory_space<hbm>> -> memref<1x128xi32, #tpu.memory_space<hbm>>
        %dma_start3A_34 = tpu.memref_squeeze %dma_start3A_33 : memref<1x128xi32, #tpu.memory_space<hbm>> -> memref<128xi32, #tpu.memory_space<hbm>>
        tpu.enqueue_dma source(%dma_start3A_34 : memref<128xi32, #tpu.memory_space<hbm>>) target(%arg9 : memref<128xi32, #tpu.memory_space<vmem>>) target_semaphore(%run_scoped3A : memref<!tpu.dma_semaphore, #tpu.memory_space<semaphore_mem>>)
        %dma_wait3A_35 = arith.constant 0 : i32
        %dma_wait3A_36 = tpu.memref_slice %arg4[%add3A_24, %dma_wait3A_35] : memref<2528x128xi32, #tpu.memory_space<hbm>> -> memref<1x128xi32, #tpu.memory_space<hbm>>
        %dma_wait3A_37 = tpu.memref_squeeze %dma_wait3A_36 : memref<1x128xi32, #tpu.memory_space<hbm>> -> memref<128xi32, #tpu.memory_space<hbm>>
        %dma_wait3A_38 = arith.constant 0 : i32
        %dma_wait3A_39 = tpu.memref_slice %arg4[%add3A_24, %dma_wait3A_38] : memref<2528x128xi32, #tpu.memory_space<hbm>> -> memref<1x128xi32, #tpu.memory_space<hbm>>
        %dma_wait3A_40 = tpu.memref_squeeze %dma_wait3A_39 : memref<1x128xi32, #tpu.memory_space<hbm>> -> memref<128xi32, #tpu.memory_space<hbm>>
        tpu.wait_dma2 semaphore(%run_scoped3A : memref<!tpu.dma_semaphore, #tpu.memory_space<semaphore_mem>>) src(%dma_wait3A_40 : memref<128xi32, #tpu.memory_space<hbm>>) dst(%arg9 : memref<128xi32, #tpu.memory_space<vmem>>)
        tpu.yield
      }) : () -> ()
      "tpu.region"() ({
        %run_scoped3A = tpu.sem_alloc : memref<!tpu.dma_semaphore, #tpu.memory_space<semaphore_mem>>
        %dma_start3A_29 = arith.constant 0 : i32
        %dma_start3A_30 = tpu.memref_slice %arg5[%add3A_24, %dma_start3A_29] : memref<2528x128xi32, #tpu.memory_space<hbm>> -> memref<1x128xi32, #tpu.memory_space<hbm>>
        %dma_start3A_31 = tpu.memref_squeeze %dma_start3A_30 : memref<1x128xi32, #tpu.memory_space<hbm>> -> memref<128xi32, #tpu.memory_space<hbm>>
        %dma_start3A_32 = arith.constant 0 : i32
        %dma_start3A_33 = tpu.memref_slice %arg5[%add3A_24, %dma_start3A_32] : memref<2528x128xi32, #tpu.memory_space<hbm>> -> memref<1x128xi32, #tpu.memory_space<hbm>>
        %dma_start3A_34 = tpu.memref_squeeze %dma_start3A_33 : memref<1x128xi32, #tpu.memory_space<hbm>> -> memref<128xi32, #tpu.memory_space<hbm>>
        tpu.enqueue_dma source(%dma_start3A_34 : memref<128xi32, #tpu.memory_space<hbm>>) target(%arg10 : memref<128xi32, #tpu.memory_space<vmem>>) target_semaphore(%run_scoped3A : memref<!tpu.dma_semaphore, #tpu.memory_space<semaphore_mem>>)
        %dma_wait3A_35 = arith.constant 0 : i32
        %dma_wait3A_36 = tpu.memref_slice %arg5[%add3A_24, %dma_wait3A_35] : memref<2528x128xi32, #tpu.memory_space<hbm>> -> memref<1x128xi32, #tpu.memory_space<hbm>>
        %dma_wait3A_37 = tpu.memref_squeeze %dma_wait3A_36 : memref<1x128xi32, #tpu.memory_space<hbm>> -> memref<128xi32, #tpu.memory_space<hbm>>
        %dma_wait3A_38 = arith.constant 0 : i32
        %dma_wait3A_39 = tpu.memref_slice %arg5[%add3A_24, %dma_wait3A_38] : memref<2528x128xi32, #tpu.memory_space<hbm>> -> memref<1x128xi32, #tpu.memory_space<hbm>>
        %dma_wait3A_40 = tpu.memref_squeeze %dma_wait3A_39 : memref<1x128xi32, #tpu.memory_space<hbm>> -> memref<128xi32, #tpu.memory_space<hbm>>
        tpu.wait_dma2 semaphore(%run_scoped3A : memref<!tpu.dma_semaphore, #tpu.memory_space<semaphore_mem>>) src(%dma_wait3A_40 : memref<128xi32, #tpu.memory_space<hbm>>) dst(%arg10 : memref<128xi32, #tpu.memory_space<vmem>>)
        tpu.yield
      }) : () -> ()
      %dma_start3A = arith.constant 0 : i32
      %dma_start3A_25 = arith.constant 0 : i32
      %dma_start3A_26 = tpu.memref_slice %arg2[%dma_start3A, %dma_start3A_25] : memref<10000x128xf32, #tpu.memory_space<hbm>> -> memref<10000x128xf32, #tpu.memory_space<hbm>>
      tpu.enqueue_indirect_dma source(%dma_start3A_26 : memref<10000x128xf32, #tpu.memory_space<hbm>>) target(%arg11 : memref<128x128xf32, #tpu.memory_space<vmem>>) offsets(%arg9 : memref<128xi32, #tpu.memory_space<vmem>>) semaphore(%arg13 : memref<!tpu.dma_semaphore, #tpu.memory_space<semaphore_mem>>)
      %dma_wait3A = arith.constant 0 : i32
      %dma_wait3A_27 = arith.constant 0 : i32
      %dma_wait3A_28 = tpu.memref_slice %arg2[%dma_wait3A, %dma_wait3A_27] : memref<10000x128xf32, #tpu.memory_space<hbm>> -> memref<10000x128xf32, #tpu.memory_space<hbm>>
      tpu.wait_indirect_dma semaphore(%arg13 : memref<!tpu.dma_semaphore, #tpu.memory_space<semaphore_mem>>) src(%dma_wait3A_28 : memref<10000x128xf32, #tpu.memory_space<hbm>>) dst(%arg11 : memref<128x128xf32, #tpu.memory_space<vmem>>)
      "tpu.region"() ({
        %run_scoped3A = tpu.sem_alloc : memref<!tpu.dma_semaphore, #tpu.memory_space<semaphore_mem>>
        %dma_start3A_29 = arith.constant 0 : i32
        %dma_start3A_30 = arith.constant 0 : i32
        %dma_start3A_31 = tpu.memref_slice %arg8[%dma_start3A_29, %dma_start3A_30] : memref<10240x128xf32, #tpu.memory_space<vmem_shared>> -> memref<10240x128xf32, #tpu.memory_space<vmem_shared>>
        tpu.enqueue_indirect_dma source(%arg11 : memref<128x128xf32, #tpu.memory_space<vmem>>) target(%dma_start3A_31 : memref<10240x128xf32, #tpu.memory_space<vmem_shared>>) offsets(%arg10 : memref<128xi32, #tpu.memory_space<vmem>>) semaphore(%run_scoped3A : memref<!tpu.dma_semaphore, #tpu.memory_space<semaphore_mem>>) {add = true}
        %dma_wait3A_32 = arith.constant 0 : i32
        %dma_wait3A_33 = arith.constant 0 : i32
        %dma_wait3A_34 = tpu.memref_slice %arg8[%dma_wait3A_32, %dma_wait3A_33] : memref<10240x128xf32, #tpu.memory_space<vmem_shared>> -> memref<10240x128xf32, #tpu.memory_space<vmem_shared>>
        tpu.wait_indirect_dma semaphore(%run_scoped3A : memref<!tpu.dma_semaphore, #tpu.memory_space<semaphore_mem>>) src(%arg11 : memref<128x128xf32, #tpu.memory_space<vmem>>) dst(%dma_wait3A_34 : memref<10240x128xf32, #tpu.memory_space<vmem_shared>>)
        tpu.yield
      }) : () -> ()
      "tpu.region"() ({
        %run_scoped3A = tpu.sem_alloc : memref<!tpu.dma_semaphore, #tpu.memory_space<semaphore_mem>>
        %dma_start3A_29 = arith.constant 0 : i32
        %dma_start3A_30 = arith.constant 0 : i32
        %dma_start3A_31 = tpu.memref_slice %arg3[%add3A_24, %dma_start3A_29, %dma_start3A_30] : memref<2528x128x128xf32, #tpu.memory_space<hbm>> -> memref<1x128x128xf32, #tpu.memory_space<hbm>>
        %dma_start3A_32 = tpu.memref_squeeze %dma_start3A_31 : memref<1x128x128xf32, #tpu.memory_space<hbm>> -> memref<128x128xf32, #tpu.memory_space<hbm>>
        %dma_start3A_33 = arith.constant 0 : i32
        %dma_start3A_34 = arith.constant 0 : i32
        %dma_start3A_35 = tpu.memref_slice %arg3[%add3A_24, %dma_start3A_33, %dma_start3A_34] : memref<2528x128x128xf32, #tpu.memory_space<hbm>> -> memref<1x128x128xf32, #tpu.memory_space<hbm>>
        %dma_start3A_36 = tpu.memref_squeeze %dma_start3A_35 : memref<1x128x128xf32, #tpu.memory_space<hbm>> -> memref<128x128xf32, #tpu.memory_space<hbm>>
        tpu.enqueue_dma source(%dma_start3A_36 : memref<128x128xf32, #tpu.memory_space<hbm>>) target(%arg12 : memref<128x128xf32, #tpu.memory_space<vmem>>) target_semaphore(%run_scoped3A : memref<!tpu.dma_semaphore, #tpu.memory_space<semaphore_mem>>)
        %dma_wait3A_37 = arith.constant 0 : i32
        %dma_wait3A_38 = arith.constant 0 : i32
        %dma_wait3A_39 = tpu.memref_slice %arg3[%add3A_24, %dma_wait3A_37, %dma_wait3A_38] : memref<2528x128x128xf32, #tpu.memory_space<hbm>> -> memref<1x128x128xf32, #tpu.memory_space<hbm>>
        %dma_wait3A_40 = tpu.memref_squeeze %dma_wait3A_39 : memref<1x128x128xf32, #tpu.memory_space<hbm>> -> memref<128x128xf32, #tpu.memory_space<hbm>>
        %dma_wait3A_41 = arith.constant 0 : i32
        %dma_wait3A_42 = arith.constant 0 : i32
        %dma_wait3A_43 = tpu.memref_slice %arg3[%add3A_24, %dma_wait3A_41, %dma_wait3A_42] : memref<2528x128x128xf32, #tpu.memory_space<hbm>> -> memref<1x128x128xf32, #tpu.memory_space<hbm>>
        %dma_wait3A_44 = tpu.memref_squeeze %dma_wait3A_43 : memref<1x128x128xf32, #tpu.memory_space<hbm>> -> memref<128x128xf32, #tpu.memory_space<hbm>>
        tpu.wait_dma2 semaphore(%run_scoped3A : memref<!tpu.dma_semaphore, #tpu.memory_space<semaphore_mem>>) src(%dma_wait3A_44 : memref<128x128xf32, #tpu.memory_space<hbm>>) dst(%arg12 : memref<128x128xf32, #tpu.memory_space<vmem>>)
        tpu.yield
      }) : () -> ()
      "tpu.region"() ({
        %run_scoped3A = tpu.sem_alloc : memref<!tpu.dma_semaphore, #tpu.memory_space<semaphore_mem>>
        %dma_start3A_29 = arith.constant 0 : i32
        %dma_start3A_30 = arith.constant 0 : i32
        %dma_start3A_31 = tpu.memref_slice %arg8[%dma_start3A_29, %dma_start3A_30] : memref<10240x128xf32, #tpu.memory_space<vmem_shared>> -> memref<10240x128xf32, #tpu.memory_space<vmem_shared>>
        tpu.enqueue_indirect_dma source(%arg12 : memref<128x128xf32, #tpu.memory_space<vmem>>) target(%dma_start3A_31 : memref<10240x128xf32, #tpu.memory_space<vmem_shared>>) offsets(%arg10 : memref<128xi32, #tpu.memory_space<vmem>>) semaphore(%run_scoped3A : memref<!tpu.dma_semaphore, #tpu.memory_space<semaphore_mem>>) {add = true}
        %dma_wait3A_32 = arith.constant 0 : i32
        %dma_wait3A_33 = arith.constant 0 : i32
        %dma_wait3A_34 = tpu.memref_slice %arg8[%dma_wait3A_32, %dma_wait3A_33] : memref<10240x128xf32, #tpu.memory_space<vmem_shared>> -> memref<10240x128xf32, #tpu.memory_space<vmem_shared>>
        tpu.wait_indirect_dma semaphore(%run_scoped3A : memref<!tpu.dma_semaphore, #tpu.memory_space<semaphore_mem>>) src(%arg12 : memref<128x128xf32, #tpu.memory_space<vmem>>) dst(%dma_wait3A_34 : memref<10240x128xf32, #tpu.memory_space<vmem_shared>>)
        tpu.yield
      }) : () -> ()
    }
    %scan3A_15 = arith.constant 79 : i32
    %barrier3A_16 = arith.constant 0 : index
    tpu.barrier barrier_id(%barrier3A_16)
    %scan3A_17 = arith.constant 0 : i32
    %scan3A_18 = arith.constant 0 : i32
    %scan3A_19 = arith.constant 5 : i32
    %scan3A_20 = arith.addi %scan3A_18, %scan3A_19 : i32
    %scan3A_21 = arith.constant 1 : i32
    scf.for %scan3A_23 = %scan3A_18 to %scan3A_20 step %scan3A_21  : i32 {
      %mul3A_24 = arith.constant 128 : i32
      %mul3A_25 = arith.muli %scan3A_23, %mul3A_24 : i32
      %add3A_26 = arith.addi %mul3A_2, %mul3A_25 : i32
      "tpu.region"() ({
        %run_scoped3A = tpu.sem_alloc : memref<!tpu.dma_semaphore, #tpu.memory_space<semaphore_mem>>
        %dma_start3A = arith.constant 0 : i32
        %dma_start3A_27 = tpu.memref_slice %arg8[%add3A_26, %dma_start3A] : memref<10240x128xf32, #tpu.memory_space<vmem_shared>> -> memref<128x128xf32, #tpu.memory_space<vmem_shared>>
        %dma_start3A_28 = arith.constant 0 : i32
        %dma_start3A_29 = tpu.memref_slice %arg8[%add3A_26, %dma_start3A_28] : memref<10240x128xf32, #tpu.memory_space<vmem_shared>> -> memref<128x128xf32, #tpu.memory_space<vmem_shared>>
        tpu.enqueue_dma source(%dma_start3A_29 : memref<128x128xf32, #tpu.memory_space<vmem_shared>>) target(%arg11 : memref<128x128xf32, #tpu.memory_space<vmem>>) target_semaphore(%run_scoped3A : memref<!tpu.dma_semaphore, #tpu.memory_space<semaphore_mem>>)
        %dma_wait3A = arith.constant 0 : i32
        %dma_wait3A_30 = tpu.memref_slice %arg8[%add3A_26, %dma_wait3A] : memref<10240x128xf32, #tpu.memory_space<vmem_shared>> -> memref<128x128xf32, #tpu.memory_space<vmem_shared>>
        %dma_wait3A_31 = arith.constant 0 : i32
        %dma_wait3A_32 = tpu.memref_slice %arg8[%add3A_26, %dma_wait3A_31] : memref<10240x128xf32, #tpu.memory_space<vmem_shared>> -> memref<128x128xf32, #tpu.memory_space<vmem_shared>>
        tpu.wait_dma2 semaphore(%run_scoped3A : memref<!tpu.dma_semaphore, #tpu.memory_space<semaphore_mem>>) src(%dma_wait3A_32 : memref<128x128xf32, #tpu.memory_space<vmem_shared>>) dst(%arg11 : memref<128x128xf32, #tpu.memory_space<vmem>>)
        tpu.yield
      }) : () -> ()
      "tpu.region"() ({
        %run_scoped3A = tpu.sem_alloc : memref<!tpu.dma_semaphore, #tpu.memory_space<semaphore_mem>>
        %dma_start3A = arith.constant 0 : i32
        %dma_start3A_27 = tpu.memref_slice %arg7[%arg0, %add3A_26, %dma_start3A] : memref<2x10240x128xf32, #tpu.memory_space<hbm>> -> memref<1x128x128xf32, #tpu.memory_space<hbm>>
        %dma_start3A_28 = tpu.memref_squeeze %dma_start3A_27 : memref<1x128x128xf32, #tpu.memory_space<hbm>> -> memref<128x128xf32, #tpu.memory_space<hbm>>
        %dma_start3A_29 = arith.constant 0 : i32
        %dma_start3A_30 = tpu.memref_slice %arg7[%arg0, %add3A_26, %dma_start3A_29] : memref<2x10240x128xf32, #tpu.memory_space<hbm>> -> memref<1x128x128xf32, #tpu.memory_space<hbm>>
        %dma_start3A_31 = tpu.memref_squeeze %dma_start3A_30 : memref<1x128x128xf32, #tpu.memory_space<hbm>> -> memref<128x128xf32, #tpu.memory_space<hbm>>
        tpu.enqueue_dma source(%arg11 : memref<128x128xf32, #tpu.memory_space<vmem>>) target(%dma_start3A_31 : memref<128x128xf32, #tpu.memory_space<hbm>>) target_semaphore(%run_scoped3A : memref<!tpu.dma_semaphore, #tpu.memory_space<semaphore_mem>>)
        %dma_wait3A = arith.constant 0 : i32
        %dma_wait3A_32 = tpu.memref_slice %arg7[%arg0, %add3A_26, %dma_wait3A] : memref<2x10240x128xf32, #tpu.memory_space<hbm>> -> memref<1x128x128xf32, #tpu.memory_space<hbm>>
        %dma_wait3A_33 = tpu.memref_squeeze %dma_wait3A_32 : memref<1x128x128xf32, #tpu.memory_space<hbm>> -> memref<128x128xf32, #tpu.memory_space<hbm>>
        %dma_wait3A_34 = arith.constant 0 : i32
        %dma_wait3A_35 = tpu.memref_slice %arg7[%arg0, %add3A_26, %dma_wait3A_34] : memref<2x10240x128xf32, #tpu.memory_space<hbm>> -> memref<1x128x128xf32, #tpu.memory_space<hbm>>
        %dma_wait3A_36 = tpu.memref_squeeze %dma_wait3A_35 : memref<1x128x128xf32, #tpu.memory_space<hbm>> -> memref<128x128xf32, #tpu.memory_space<hbm>>
        tpu.wait_dma2 semaphore(%run_scoped3A : memref<!tpu.dma_semaphore, #tpu.memory_space<semaphore_mem>>) src(%arg11 : memref<128x128xf32, #tpu.memory_space<vmem>>) dst(%dma_wait3A_36 : memref<128x128xf32, #tpu.memory_space<hbm>>)
        tpu.yield
      }) : () -> ()
    }
    %scan3A_22 = arith.constant 5 : i32
    return
  }
}

module attributes {stable_mosaic.version = 14 : i64} {
  func.func @_efw_body(%arg0: i32, %arg1: memref<32x128x16xf32, #tpu.memory_space<vmem>>, %arg2: memref<128x144xf32, #tpu.memory_space<vmem>>, %arg3: memref<32x128x128xf32, #tpu.memory_space<vmem>>) attributes {dimension_semantics = [#tpu.dimension_semantics<arbitrary>], iteration_bounds = array<i64: 79>, scalar_prefetch = 0 : i64, scratch_operands = 0 : i64, tpu.core_type = #tpu.core_type<tc>, window_params = [{transform_indices = @transform_0, window_bounds = array<i64: 32, 128, 16>}, {pipeline_mode = #tpu.pipeline_mode<synchronous>, transform_indices = @transform_1, window_bounds = array<i64: 128, 144>}, {transform_indices = @transform_2, window_bounds = array<i64: 32, 128, 128>}]} {
    %get3A = arith.constant 0 : index
    %get3A_0 = arith.constant 0 : index
    %get3A_1 = arith.constant 0 : index
    %get3A_2 = vector.load %arg1[%get3A, %get3A_0, %get3A_1] : memref<32x128x16xf32, #tpu.memory_space<vmem>>, vector<32x128x16xf32>
    %reshape3A = vector.shape_cast %get3A_2 : vector<32x128x16xf32> to vector<4096x16xf32>
    %get3A_3 = arith.constant 0 : index
    %get3A_4 = arith.constant 128 : index
    %get3A_5 = vector.load %arg2[%get3A_3, %get3A_4] : memref<128x144xf32, #tpu.memory_space<vmem>>, vector<128x16xf32>
    %dot_general3A = arith.constant dense<0.000000e+00> : vector<4096x128xf32>
    %dot_general3A_6 = tpu.matmul %reshape3A, %get3A_5, %dot_general3A {dimension_numbers = #tpu.dot_dimension_numbers<[1], [1], [0], [0], [0, 0, 1, 0], [], []>, transpose_lhs_hint = false} : vector<4096x16xf32>, vector<128x16xf32>, vector<4096x128xf32> -> vector<4096x128xf32>
    %reshape3A_7 = vector.shape_cast %dot_general3A_6 : vector<4096x128xf32> to vector<32x128x128xf32>
    %swap3A = arith.constant 0 : index
    %swap3A_8 = arith.constant 0 : index
    %swap3A_9 = arith.constant 0 : index
    %swap3A_10 = vector.load %arg3[%swap3A, %swap3A_8, %swap3A_9] : memref<32x128x128xf32, #tpu.memory_space<vmem>>, vector<32x128x128xf32>
    tpu.vector_store %arg3[%swap3A, %swap3A_8, %swap3A_9], %reshape3A_7 {strides = array<i32>} : memref<32x128x128xf32, #tpu.memory_space<vmem>>, vector<32x128x128xf32>,
    return
  }
  func.func @transform_0(%arg0: i32) -> (i32, i32, i32) {
    %c0_i32 = arith.constant 0 : i32
    %c0_i32_0 = arith.constant 0 : i32
    %c0_i32_1 = arith.constant 0 : i32
    return %arg0, %c0_i32, %c0_i32_0 : i32, i32, i32
  }
  func.func @transform_1(%arg0: i32) -> (i32, i32) {
    %c0_i32 = arith.constant 0 : i32
    %c0_i32_0 = arith.constant 0 : i32
    %c0_i32_1 = arith.constant 0 : i32
    return %c0_i32, %c0_i32_0 : i32, i32
  }
  func.func @transform_2(%arg0: i32) -> (i32, i32, i32) {
    %c0_i32 = arith.constant 0 : i32
    %c0_i32_0 = arith.constant 0 : i32
    %c0_i32_1 = arith.constant 0 : i32
    return %arg0, %c0_i32, %c0_i32_0 : i32, i32, i32
  }
}

module attributes {stable_mosaic.version = 14 : i64} {
  func.func @_xw_body(%arg0: i32, %arg1: memref<1000x128xf32, #tpu.memory_space<vmem>>, %arg2: memref<128x144xf32, #tpu.memory_space<vmem>>, %arg3: memref<1000x128xf32, #tpu.memory_space<vmem>>) attributes {dimension_semantics = [#tpu.dimension_semantics<arbitrary>], iteration_bounds = array<i64: 10>, scalar_prefetch = 0 : i64, scratch_operands = 0 : i64, tpu.core_type = #tpu.core_type<tc>, window_params = [{transform_indices = @transform_0, window_bounds = array<i64: 1000, 128>}, {pipeline_mode = #tpu.pipeline_mode<synchronous>, transform_indices = @transform_1, window_bounds = array<i64: 128, 144>}, {transform_indices = @transform_2, window_bounds = array<i64: 1000, 128>}]} {
    %get3A = arith.constant 0 : index
    %get3A_0 = arith.constant 0 : index
    %get3A_1 = vector.load %arg1[%get3A, %get3A_0] : memref<1000x128xf32, #tpu.memory_space<vmem>>, vector<1000x128xf32>
    %get3A_2 = arith.constant 0 : index
    %get3A_3 = arith.constant 0 : index
    %get3A_4 = vector.load %arg2[%get3A_2, %get3A_3] : memref<128x144xf32, #tpu.memory_space<vmem>>, vector<128x128xf32>
    %dot_general3A = arith.constant dense<0.000000e+00> : vector<1000x128xf32>
    %dot_general3A_5 = tpu.matmul %get3A_1, %get3A_4, %dot_general3A {dimension_numbers = #tpu.dot_dimension_numbers<[1], [1], [0], [0], [0, 0, 1, 0], [], []>, transpose_lhs_hint = false} : vector<1000x128xf32>, vector<128x128xf32>, vector<1000x128xf32> -> vector<1000x128xf32>
    %swap3A = arith.constant 0 : index
    %swap3A_6 = arith.constant 0 : index
    %swap3A_7 = vector.load %arg3[%swap3A, %swap3A_6] : memref<1000x128xf32, #tpu.memory_space<vmem>>, vector<1000x128xf32>
    tpu.vector_store %arg3[%swap3A, %swap3A_6], %dot_general3A_5 {strides = array<i32>} : memref<1000x128xf32, #tpu.memory_space<vmem>>, vector<1000x128xf32>,
    return
  }
  func.func @transform_0(%arg0: i32) -> (i32, i32) {
    %c0_i32 = arith.constant 0 : i32
    %c0_i32_0 = arith.constant 0 : i32
    return %arg0, %c0_i32 : i32, i32
  }
  func.func @transform_1(%arg0: i32) -> (i32, i32) {
    %c0_i32 = arith.constant 0 : i32
    %c0_i32_0 = arith.constant 0 : i32
    %c0_i32_1 = arith.constant 0 : i32
    return %c0_i32, %c0_i32_0 : i32, i32
  }
  func.func @transform_2(%arg0: i32) -> (i32, i32) {
    %c0_i32 = arith.constant 0 : i32
    %c0_i32_0 = arith.constant 0 : i32
    return %arg0, %c0_i32 : i32, i32
  }
}

module attributes {stable_mosaic.version = 14 : i64} {
  func.func @_dense_body(%arg0: i32, %arg1: memref<2x1000x128xf32, #tpu.memory_space<vmem>>, %arg2: memref<1000x128xf32, #tpu.memory_space<vmem>>, %arg3: memref<1000x128xf32, #tpu.memory_space<vmem>>, %arg4: memref<128x128xf32, #tpu.memory_space<vmem>>, %arg5: memref<1x128xf32, #tpu.memory_space<vmem>>, %arg6: memref<1x128xf32, #tpu.memory_space<vmem>>, %arg7: memref<128x256xf32, #tpu.memory_space<vmem>>, %arg8: memref<1x128xf32, #tpu.memory_space<vmem>>, %arg9: memref<128x256xf32, #tpu.memory_space<vmem>>, %arg10: memref<1x128xf32, #tpu.memory_space<vmem>>, %arg11: memref<128x256xf32, #tpu.memory_space<vmem>>, %arg12: memref<1x128xf32, #tpu.memory_space<vmem>>, %arg13: memref<1000x128xf32, #tpu.memory_space<vmem>>) attributes {dimension_semantics = [#tpu.dimension_semantics<arbitrary>], iteration_bounds = array<i64: 10>, scalar_prefetch = 0 : i64, scratch_operands = 0 : i64, tpu.core_type = #tpu.core_type<tc>, window_params = [{transform_indices = @transform_0, window_bounds = array<i64: 2, 1000, 128>}, {transform_indices = @transform_1, window_bounds = array<i64: 1000, 128>}, {transform_indices = @transform_2, window_bounds = array<i64: 1000, 128>}, {pipeline_mode = #tpu.pipeline_mode<synchronous>, transform_indices = @transform_3, window_bounds = array<i64: 128, 128>}, {pipeline_mode = #tpu.pipeline_mode<synchronous>, transform_indices = @transform_4, window_bounds = array<i64: 1, 128>}, {pipeline_mode = #tpu.pipeline_mode<synchronous>, transform_indices = @transform_5, window_bounds = array<i64: 1, 128>}, {pipeline_mode = #tpu.pipeline_mode<synchronous>, transform_indices = @transform_6, window_bounds = array<i64: 128, 256>}, {pipeline_mode = #tpu.pipeline_mode<synchronous>, transform_indices = @transform_7, window_bounds = array<i64: 1, 128>}, {pipeline_mode = #tpu.pipeline_mode<synchronous>, transform_indices = @transform_8, window_bounds = array<i64: 128, 256>}, {pipeline_mode = #tpu.pipeline_mode<synchronous>, transform_indices = @transform_9, window_bounds = array<i64: 1, 128>}, {pipeline_mode = #tpu.pipeline_mode<synchronous>, transform_indices = @transform_10, window_bounds = array<i64: 128, 256>}, {pipeline_mode = #tpu.pipeline_mode<synchronous>, transform_indices = @transform_11, window_bounds = array<i64: 1, 128>}, {transform_indices = @transform_12, window_bounds = array<i64: 1000, 128>}]} {
    %get3A = arith.constant 0 : index
    %get3A_0 = arith.constant 0 : index
    %get3A_1 = arith.constant 0 : index
    %get3A_2 = vector.load %arg1[%get3A, %get3A_0, %get3A_1] : memref<2x1000x128xf32, #tpu.memory_space<vmem>>, vector<1x1000x128xf32>
    %get3A_3 = vector.shape_cast %get3A_2 : vector<1x1000x128xf32> to vector<1000x128xf32>
    %get3A_4 = arith.constant 1 : index
    %get3A_5 = arith.constant 0 : index
    %get3A_6 = arith.constant 0 : index
    %get3A_7 = vector.load %arg1[%get3A_4, %get3A_5, %get3A_6] : memref<2x1000x128xf32, #tpu.memory_space<vmem>>, vector<1x1000x128xf32>
    %get3A_8 = vector.shape_cast %get3A_7 : vector<1x1000x128xf32> to vector<1000x128xf32>
    %add3A = arith.addf %get3A_3, %get3A_8 : vector<1000x128xf32>
    %get3A_9 = arith.constant 0 : index
    %get3A_10 = arith.constant 0 : index
    %get3A_11 = vector.load %arg2[%get3A_9, %get3A_10] : memref<1000x128xf32, #tpu.memory_space<vmem>>, vector<1000x128xf32>
    %get3A_12 = arith.constant 0 : index
    %get3A_13 = arith.constant 0 : index
    %get3A_14 = vector.load %arg3[%get3A_12, %get3A_13] : memref<1000x128xf32, #tpu.memory_space<vmem>>, vector<1000x128xf32>
    %get3A_15 = arith.constant 0 : index
    %get3A_16 = arith.constant 0 : index
    %get3A_17 = vector.load %arg6[%get3A_15, %get3A_16] : memref<1x128xf32, #tpu.memory_space<vmem>>, vector<1x128xf32>
    %add3A_18 = vector.broadcast %get3A_17 : vector<1x128xf32> to vector<1000x128xf32>
    %add3A_19 = arith.addf %add3A, %add3A_18 : vector<1000x128xf32>
    %get3A_20 = arith.constant 0 : index
    %get3A_21 = arith.constant 0 : index
    %get3A_22 = vector.load %arg4[%get3A_20, %get3A_21] : memref<128x128xf32, #tpu.memory_space<vmem>>, vector<128x128xf32>
    %dot_general3A = arith.constant dense<0.000000e+00> : vector<1000x128xf32>
    %dot_general3A_23 = tpu.matmul %get3A_11, %get3A_22, %dot_general3A {dimension_numbers = #tpu.dot_dimension_numbers<[1], [1], [0], [0], [0, 0, 1, 0], [], []>, transpose_lhs_hint = false} : vector<1000x128xf32>, vector<128x128xf32>, vector<1000x128xf32> -> vector<1000x128xf32>
    %add3A_24 = arith.addf %add3A_19, %dot_general3A_23 : vector<1000x128xf32>
    %get3A_25 = arith.constant 0 : index
    %get3A_26 = arith.constant 0 : index
    %get3A_27 = vector.load %arg5[%get3A_25, %get3A_26] : memref<1x128xf32, #tpu.memory_space<vmem>>, vector<1x128xf32>
    %add3A_28 = vector.broadcast %get3A_27 : vector<1x128xf32> to vector<1000x128xf32>
    %add3A_29 = arith.addf %add3A_24, %add3A_28 : vector<1000x128xf32>
    %max3A = arith.constant 0.000000e+00 : f32
    %max3A_30 = vector.broadcast %max3A : f32 to vector<1000x128xf32>
    %max3A_31 = arith.maximumf %add3A_29, %max3A_30 : vector<1000x128xf32>
    %get3A_32 = arith.constant 0 : index
    %get3A_33 = arith.constant 0 : index
    %get3A_34 = vector.load %arg7[%get3A_32, %get3A_33] : memref<128x256xf32, #tpu.memory_space<vmem>>, vector<128x256xf32>
    %get3A_35 = arith.constant 0 : index
    %get3A_36 = arith.constant 0 : index
    %get3A_37 = vector.load %arg9[%get3A_35, %get3A_36] : memref<128x256xf32, #tpu.memory_space<vmem>>, vector<128x256xf32>
    %get3A_38 = arith.constant 0 : index
    %get3A_39 = arith.constant 0 : index
    %get3A_40 = vector.load %arg11[%get3A_38, %get3A_39] : memref<128x256xf32, #tpu.memory_space<vmem>>, vector<128x256xf32>
    %slice3A = vector.extract_strided_slice %get3A_34 {offsets = [0, 0], sizes = [128, 128], strides = [1, 1]} : vector<128x256xf32> to vector<128x128xf32>
    %dot_general3A_41 = arith.constant dense<0.000000e+00> : vector<1000x128xf32>
    %dot_general3A_42 = tpu.matmul %max3A_31, %slice3A, %dot_general3A_41 {dimension_numbers = #tpu.dot_dimension_numbers<[1], [1], [0], [0], [0, 0, 1, 0], [], []>, transpose_lhs_hint = false} : vector<1000x128xf32>, vector<128x128xf32>, vector<1000x128xf32> -> vector<1000x128xf32>
    %slice3A_43 = vector.extract_strided_slice %get3A_34 {offsets = [0, 128], sizes = [128, 128], strides = [1, 1]} : vector<128x256xf32> to vector<128x128xf32>
    %dot_general3A_44 = arith.constant dense<0.000000e+00> : vector<1000x128xf32>
    %dot_general3A_45 = tpu.matmul %get3A_14, %slice3A_43, %dot_general3A_44 {dimension_numbers = #tpu.dot_dimension_numbers<[1], [1], [0], [0], [0, 0, 1, 0], [], []>, transpose_lhs_hint = false} : vector<1000x128xf32>, vector<128x128xf32>, vector<1000x128xf32> -> vector<1000x128xf32>
    %add3A_46 = arith.addf %dot_general3A_42, %dot_general3A_45 : vector<1000x128xf32>
    %get3A_47 = arith.constant 0 : index
    %get3A_48 = arith.constant 0 : index
    %get3A_49 = vector.load %arg8[%get3A_47, %get3A_48] : memref<1x128xf32, #tpu.memory_space<vmem>>, vector<1x128xf32>
    %add3A_50 = vector.broadcast %get3A_49 : vector<1x128xf32> to vector<1000x128xf32>
    %add3A_51 = arith.addf %add3A_46, %add3A_50 : vector<1000x128xf32>
    %logistic3A = arith.negf %add3A_51 : vector<1000x128xf32>
    %logistic3A_52 = math.exp %logistic3A : vector<1000x128xf32>
    %logistic3A_53 = arith.constant 1.000000e+00 : f32
    %logistic3A_54 = vector.broadcast %logistic3A_53 : f32 to vector<1000x128xf32>
    %logistic3A_55 = arith.addf %logistic3A_54, %logistic3A_52 : vector<1000x128xf32>
    %logistic3A_56 = arith.divf %logistic3A_54, %logistic3A_55 : vector<1000x128xf32>
    %slice3A_57 = vector.extract_strided_slice %get3A_37 {offsets = [0, 0], sizes = [128, 128], strides = [1, 1]} : vector<128x256xf32> to vector<128x128xf32>
    %dot_general3A_58 = arith.constant dense<0.000000e+00> : vector<1000x128xf32>
    %dot_general3A_59 = tpu.matmul %max3A_31, %slice3A_57, %dot_general3A_58 {dimension_numbers = #tpu.dot_dimension_numbers<[1], [1], [0], [0], [0, 0, 1, 0], [], []>, transpose_lhs_hint = false} : vector<1000x128xf32>, vector<128x128xf32>, vector<1000x128xf32> -> vector<1000x128xf32>
    %slice3A_60 = vector.extract_strided_slice %get3A_37 {offsets = [0, 128], sizes = [128, 128], strides = [1, 1]} : vector<128x256xf32> to vector<128x128xf32>
    %dot_general3A_61 = arith.constant dense<0.000000e+00> : vector<1000x128xf32>
    %dot_general3A_62 = tpu.matmul %get3A_14, %slice3A_60, %dot_general3A_61 {dimension_numbers = #tpu.dot_dimension_numbers<[1], [1], [0], [0], [0, 0, 1, 0], [], []>, transpose_lhs_hint = false} : vector<1000x128xf32>, vector<128x128xf32>, vector<1000x128xf32> -> vector<1000x128xf32>
    %add3A_63 = arith.addf %dot_general3A_59, %dot_general3A_62 : vector<1000x128xf32>
    %get3A_64 = arith.constant 0 : index
    %get3A_65 = arith.constant 0 : index
    %get3A_66 = vector.load %arg10[%get3A_64, %get3A_65] : memref<1x128xf32, #tpu.memory_space<vmem>>, vector<1x128xf32>
    %add3A_67 = vector.broadcast %get3A_66 : vector<1x128xf32> to vector<1000x128xf32>
    %add3A_68 = arith.addf %add3A_63, %add3A_67 : vector<1000x128xf32>
    %logistic3A_69 = arith.negf %add3A_68 : vector<1000x128xf32>
    %logistic3A_70 = math.exp %logistic3A_69 : vector<1000x128xf32>
    %logistic3A_71 = arith.constant 1.000000e+00 : f32
    %logistic3A_72 = vector.broadcast %logistic3A_71 : f32 to vector<1000x128xf32>
    %logistic3A_73 = arith.addf %logistic3A_72, %logistic3A_70 : vector<1000x128xf32>
    %logistic3A_74 = arith.divf %logistic3A_72, %logistic3A_73 : vector<1000x128xf32>
    %slice3A_75 = vector.extract_strided_slice %get3A_40 {offsets = [0, 0], sizes = [128, 128], strides = [1, 1]} : vector<128x256xf32> to vector<128x128xf32>
    %dot_general3A_76 = arith.constant dense<0.000000e+00> : vector<1000x128xf32>
    %dot_general3A_77 = tpu.matmul %max3A_31, %slice3A_75, %dot_general3A_76 {dimension_numbers = #tpu.dot_dimension_numbers<[1], [1], [0], [0], [0, 0, 1, 0], [], []>, transpose_lhs_hint = false} : vector<1000x128xf32>, vector<128x128xf32>, vector<1000x128xf32> -> vector<1000x128xf32>
    %mul3A = arith.mulf %logistic3A_74, %get3A_14 : vector<1000x128xf32>
    %slice3A_78 = vector.extract_strided_slice %get3A_40 {offsets = [0, 128], sizes = [128, 128], strides = [1, 1]} : vector<128x256xf32> to vector<128x128xf32>
    %dot_general3A_79 = arith.constant dense<0.000000e+00> : vector<1000x128xf32>
    %dot_general3A_80 = tpu.matmul %mul3A, %slice3A_78, %dot_general3A_79 {dimension_numbers = #tpu.dot_dimension_numbers<[1], [1], [0], [0], [0, 0, 1, 0], [], []>, transpose_lhs_hint = false} : vector<1000x128xf32>, vector<128x128xf32>, vector<1000x128xf32> -> vector<1000x128xf32>
    %add3A_81 = arith.addf %dot_general3A_77, %dot_general3A_80 : vector<1000x128xf32>
    %get3A_82 = arith.constant 0 : index
    %get3A_83 = arith.constant 0 : index
    %get3A_84 = vector.load %arg12[%get3A_82, %get3A_83] : memref<1x128xf32, #tpu.memory_space<vmem>>, vector<1x128xf32>
    %add3A_85 = vector.broadcast %get3A_84 : vector<1x128xf32> to vector<1000x128xf32>
    %add3A_86 = arith.addf %add3A_81, %add3A_85 : vector<1000x128xf32>
    %tanh3A = math.tanh %add3A_86 : vector<1000x128xf32>
    %mul3A_87 = arith.mulf %logistic3A_56, %get3A_14 : vector<1000x128xf32>
    %sub3A = arith.constant 1.000000e+00 : f32
    %sub3A_88 = vector.broadcast %sub3A : f32 to vector<1000x128xf32>
    %sub3A_89 = arith.subf %sub3A_88, %logistic3A_56 : vector<1000x128xf32>
    %mul3A_90 = arith.mulf %sub3A_89, %tanh3A : vector<1000x128xf32>
    %add3A_91 = arith.addf %mul3A_87, %mul3A_90 : vector<1000x128xf32>
    %swap3A = arith.constant 0 : index
    %swap3A_92 = arith.constant 0 : index
    %swap3A_93 = vector.load %arg13[%swap3A, %swap3A_92] : memref<1000x128xf32, #tpu.memory_space<vmem>>, vector<1000x128xf32>
    tpu.vector_store %arg13[%swap3A, %swap3A_92], %add3A_91 {strides = array<i32>} : memref<1000x128xf32, #tpu.memory_space<vmem>>, vector<1000x128xf32>,
    return
  }
  func.func @transform_0(%arg0: i32) -> (i32, i32, i32) {
    %c0_i32 = arith.constant 0 : i32
    %c0_i32_0 = arith.constant 0 : i32
    %c0_i32_1 = arith.constant 0 : i32
    return %c0_i32, %arg0, %c0_i32_0 : i32, i32, i32
  }
  func.func @transform_1(%arg0: i32) -> (i32, i32) {
    %c0_i32 = arith.constant 0 : i32
    %c0_i32_0 = arith.constant 0 : i32
    return %arg0, %c0_i32 : i32, i32
  }
  func.func @transform_2(%arg0: i32) -> (i32, i32) {
    %c0_i32 = arith.constant 0 : i32
    %c0_i32_0 = arith.constant 0 : i32
    return %arg0, %c0_i32 : i32, i32
  }
  func.func @transform_3(%arg0: i32) -> (i32, i32) {
    %c0_i32 = arith.constant 0 : i32
    %c0_i32_0 = arith.constant 0 : i32
    %c0_i32_1 = arith.constant 0 : i32
    return %c0_i32, %c0_i32_0 : i32, i32
  }
  func.func @transform_4(%arg0: i32) -> (i32, i32) {
    %c0_i32 = arith.constant 0 : i32
    %c0_i32_0 = arith.constant 0 : i32
    %c0_i32_1 = arith.constant 0 : i32
    return %c0_i32, %c0_i32_0 : i32, i32
  }
  func.func @transform_5(%arg0: i32) -> (i32, i32) {
    %c0_i32 = arith.constant 0 : i32
    %c0_i32_0 = arith.constant 0 : i32
    %c0_i32_1 = arith.constant 0 : i32
    return %c0_i32, %c0_i32_0 : i32, i32
  }
  func.func @transform_6(%arg0: i32) -> (i32, i32) {
    %c0_i32 = arith.constant 0 : i32
    %c0_i32_0 = arith.constant 0 : i32
    %c0_i32_1 = arith.constant 0 : i32
    return %c0_i32, %c0_i32_0 : i32, i32
  }
  func.func @transform_7(%arg0: i32) -> (i32, i32) {
    %c0_i32 = arith.constant 0 : i32
    %c0_i32_0 = arith.constant 0 : i32
    %c0_i32_1 = arith.constant 0 : i32
    return %c0_i32, %c0_i32_0 : i32, i32
  }
  func.func @transform_8(%arg0: i32) -> (i32, i32) {
    %c0_i32 = arith.constant 0 : i32
    %c0_i32_0 = arith.constant 0 : i32
    %c0_i32_1 = arith.constant 0 : i32
    return %c0_i32, %c0_i32_0 : i32, i32
  }
  func.func @transform_9(%arg0: i32) -> (i32, i32) {
    %c0_i32 = arith.constant 0 : i32
    %c0_i32_0 = arith.constant 0 : i32
    %c0_i32_1 = arith.constant 0 : i32
    return %c0_i32, %c0_i32_0 : i32, i32
  }
  func.func @transform_10(%arg0: i32) -> (i32, i32) {
    %c0_i32 = arith.constant 0 : i32
    %c0_i32_0 = arith.constant 0 : i32
    %c0_i32_1 = arith.constant 0 : i32
    return %c0_i32, %c0_i32_0 : i32, i32
  }
  func.func @transform_11(%arg0: i32) -> (i32, i32) {
    %c0_i32 = arith.constant 0 : i32
    %c0_i32_0 = arith.constant 0 : i32
    %c0_i32_1 = arith.constant 0 : i32
    return %c0_i32, %c0_i32_0 : i32, i32
  }
  func.func @transform_12(%arg0: i32) -> (i32, i32) {
    %c0_i32 = arith.constant 0 : i32
    %c0_i32_0 = arith.constant 0 : i32
    return %arg0, %c0_i32 : i32, i32
  }
}

</mosaic_0001>

<sc_bundles>
// kernel: kernel.6.cloned.1.call-start
scs
__scs_entry_jumppad:
0x0: {  	(pc) =	sbr.rel $0x88, $3  }
0x1: {  	(tag) =	ssettag $0x0;
	lr =	simm.s32 $0x1  }
0x2: {  	[smem:$0x3F93] =	sst lr;
	_ =	strace $0xD0000000  }
0x3: {  	_ = 	snop  }
0x4: {  	_ = 	snop  }
0x5: {  	_ = 	snop  }
0x6: {  	_ = 	snop  }
0x7: {  	_ = 	snop  }
__scs_overlays_trampoline_lowered:
0x8: {  	[smem:$0x3FA2] =	sst s0  }
0x9: {  	[smem:$0x3FA3] =	sst s1  }
0xa: {  	[smem:$0x3FA4] =	sst s2  }
0xb: {  	[smem:$0x3FA5] =	sst s3  }
0xc: {  	[smem:$0x3FA6] =	sst s4  }
0xd: {  	[smem:$0x3FA7] =	sst s5  }
0xe: {  	[smem:$0x3FA8] =	sst s6  }
0xf: {  	[smem:$0x3FA9] =	sst s7  }
0x10: {  	[smem:$0x3FAA] =	sst s8  }
0x11: {  	[smem:$0x3FAB] =	sst s9;
	s0 =	simm.s32 @!p0 $0x0  }
0x12: {  	s1 =	sld [smem:$0x3F91];
	s0 =	simm.s32 @p0 $0x1  }
0x13: {  	[smem:$0x3FAC] =	sst s0;
	s0 =	simm.s32 @!p1 $0x0  }
0x14: {  	s2 =	sld [smem:$0x3F90];
	s0 =	simm.s32 @p1 $0x1  }
0x15: {  	[smem:$0x3FAD] =	sst s0;
	s0 =	simm.s32 @!p2 $0x0  }
0x16: {  	s3 =	sld [smem:$0x3FDB];
	s0 =	simm.s32 @p2 $0x1  }
0x17: {  	s4 =	simm.s32 $0x1BF5;
	[smem:$0x3FAF] =	sst s0  }
0x18: {  	s0 =	sld [smem:$0x3F92];
	_ =	swait.ge [sflag:s4], $0x0  }
0x19: {  	s7 =	sld [smem:$0x3F93]  }
0x1a: {  	s8 =	sadd.s32 $0xFFFFE003, lr  }
0x1b: {  	s9 =	sadd.s32 $0xFFFFFEF7, lr;
	s5 =	simm.s32 $0xFFFFFFFF;
	p2 =	slt.u32 s8, $0xFFFFF086  }
0x1c: {  	p1 =	slt.u32 s9, $0xF7A;
	s5 =	simm.s32 @!p2 $0x0  }
0x1d: {  	s5 =	simm.s32 @p1 $0x1;
	p0 =	seq.s32 s7, s2  }
0x1e: {  	s7 =	smul.u32 @!p0 $0xF7A, s2;
	p2 =	seq.s32 @!p0 s5, $0x0  }
0x1f: {  	s9 =	smul.u32 $0xF7A, s1;
	s8 =	simm.s32 @!p0 $0x1BF5;
	p2 =	por !p2, p0  }
0x20: {  	[sflag:s8] =	ssyncset.s32 @!p0 $0xFFFFF086;
	s6 =	sadd.s32 @!p0 s3, s7;
	s7 =	simm.s32 @!p0 $0x108  }
0x21: {  	s3 =	sadd.s32 s3, s9;
	s6 =	sadd.s32 @!p0 $0x88, s6;
	s7 =	simm.s32 @p2 $0x1082  }
0x22: {  	[simem:s7], [sflag:s8] =	dma.local @!p0 [hbm:s6], $0xF7A  }
0x23: {  	s9 =	sor.u32 $0xD0000000, s2;
	s6 =	simm.s32 $0x108;
	_ =	swait.ge @!p0 [sflag:s8], $0x0  }
0x24: {  	s3 =	sadd.s32 $0x88, s3;
	s6 =	simm.s32 @!p1 $0x1082;
	[sflag:s4] =	ssyncset.s32 $0xFFFFF086  }
0x25: {  	[simem:s6], [sflag:s4] =	dma.local [hbm:s3], $0xF7A  }
0x26: {  	[smem:$0x3F93] =	sst s1;
	(tag) =	ssettag s2;
	_ =	strace s9  }
0x27: {  	s1 =	sld [smem:$0x3FA3]  }
0x28: {  	s2 =	sld [smem:$0x3FA4]  }
0x29: {  	s4 =	sld [smem:$0x3FA6]  }
0x2a: {  	p0 =	seq.s32 s5, $0x0;
	s5 =	sld [smem:$0x3FA7]  }
0x2b: {  	s6 =	sld [smem:$0x3FA8]  }
0x2c: {  	s7 =	sld [smem:$0x3FA9]  }
0x2d: {  	s3 =	simm.s32 $0x108;
	s8 =	sld [smem:$0x3FAA]  }
0x2e: {  	s3 =	simm.s32 @!p0 $0x1082;
	s9 =	sld [smem:$0x3FAB]  }
0x2f: {  	lr =	sadd.s32 s0, s3;
	s0 =	sld [smem:$0x3FA2]  }
0x30: {  	s3 =	sld [smem:$0x3FA5]  }
0x31: {  	[smem:$0x3FAE] =	sst s10  }
0x32: {  	s10 =	sld [smem:$0x3FAC];
	_ =	sdelay $0x3  }
0x33: {  	p0 =	seq.s32 s10, $0x1;
	s10 =	sld [smem:$0x3FAE];
	_ =	sdelay $0x3  }
0x34: {  	[smem:$0x3FAE] =	sst s10  }
0x35: {  	s10 =	sld [smem:$0x3FAD];
	_ =	sdelay $0x3  }
0x36: {  	p1 =	seq.s32 s10, $0x1;
	s10 =	sld [smem:$0x3FAE];
	_ =	sdelay $0x3  }
0x37: {  	[smem:$0x3FAE] =	sst s10  }
0x38: {  	s10 =	sld [smem:$0x3FAF]  }
0x39: {  	_ = 	snop;
	(pc) =	sbr.ind lr, $3  }
0x3a: {  	_ = 	snop  }
0x3b: {  	_ = 	snop  }
0x3c: {  	p2 =	seq.s32 s10, $0x1;
	s10 =	sld [smem:$0x3FAE]  }
0x3d: {  	_ =	shalt  }
0x3e: {  	_ =	shalt  }
0x3f: {  	_ =	shalt  }
0x40: {  	_ =	shalt  }
0x41: {  	_ =	shalt  }
0x42: {  	_ =	shalt  }
0x43: {  	_ =	shalt  }
0x44: {  	_ =	shalt  }
0x45: {  	_ =	shalt  }
0x46: {  	_ =	shalt  }
0x47: {  	_ =	shalt  }
0x48: {  	_ =	shalt  }
0x49: {  	_ =	shalt  }
0x4a: {  	_ =	shalt  }
0x4b: {  	_ =	shalt  }
0x4c: {  	_ =	shalt  }
0x4d: {  	_ =	shalt  }
0x4e: {  	_ =	shalt  }
0x4f: {  	_ =	shalt  }
0x50: {  	_ =	shalt  }
0x51: {  	_ =	shalt  }
0x52: {  	_ =	shalt  }
0x53: {  	_ =	shalt  }
0x54: {  	_ =	shalt  }
0x55: {  	_ =	shalt  }
0x56: {  	_ =	shalt  }
0x57: {  	_ =	shalt  }
0x58: {  	_ =	shalt  }
0x59: {  	_ =	shalt  }
0x5a: {  	_ =	shalt  }
0x5b: {  	_ =	shalt  }
0x5c: {  	_ =	shalt  }
0x5d: {  	_ =	shalt  }
0x5e: {  	_ =	shalt  }
0x5f: {  	_ =	shalt  }
0x60: {  	_ =	shalt  }
0x61: {  	_ =	shalt  }
0x62: {  	_ =	shalt  }
0x63: {  	_ =	shalt  }
0x64: {  	_ =	shalt  }
0x65: {  	_ =	shalt  }
0x66: {  	_ =	shalt  }
0x67: {  	_ =	shalt  }
0x68: {  	_ =	shalt  }
0x69: {  	_ =	shalt  }
0x6a: {  	_ =	shalt  }
0x6b: {  	_ =	shalt  }
0x6c: {  	_ =	shalt  }
0x6d: {  	_ =	shalt  }
0x6e: {  	_ =	shalt  }
0x6f: {  	_ =	shalt  }
0x70: {  	_ =	shalt  }
0x71: {  	_ =	shalt  }
0x72: {  	_ =	shalt  }
0x73: {  	_ =	shalt  }
0x74: {  	_ =	shalt  }
0x75: {  	_ =	shalt  }
0x76: {  	_ =	shalt  }
0x77: {  	_ =	shalt  }
0x78: {  	_ =	shalt  }
0x79: {  	_ =	shalt  }
0x7a: {  	_ =	shalt  }
0x7b: {  	_ =	shalt  }
0x7c: {  	_ =	shalt  }
0x7d: {  	_ =	shalt  }
0x7e: {  	_ =	shalt  }
0x7f: {  	_ =	shalt  }
0x80: {  	_ =	shalt  }
0x81: {  	_ =	shalt  }
0x82: {  	_ =	shalt  }
0x83: {  	_ =	shalt  }
0x84: {  	_ =	shalt  }
0x85: {  	_ =	shalt  }
0x86: {  	_ =	shalt  }
0x87: {  	_ =	shalt  }
.Lfunc_end0:
.L_simem_size_0:
called_computation_lowered:
.L_overlay_start_0:
0x88: {  	s2 =	sld [smem:$0x3FD9]  }
0x89: {  	s3 =	sld [smem:$0x3FFE];
	_ =	sdelay $0x1  }
0x8a: {  	s1 =	srdreg.scid  }
0x8b: {  	s0 =	sand.u32 $0x1, s1  }
0x8c: {  	s17 =	sshll.u32 s0, $0xA;
	s2 =	sadd.s32 s3, s2  }
0x8d: {  	s2 =	sadd.s32 s2, s17  }
0x8e: {  	[smem:$0x3FBA] =	sst s2  }
0x8f: {  	_ = 	snop  }
0x90: {  	s2 =	sld [smem:$0x3FD0];
	(tm) =	ssettm $0x1  }
0x91: {  	s18 =	sld [smem:$0x3FFB];
	_ =	sdelay $0x3  }
0x92: {  	_ =	strace s18  }
0x93: {  	s3 =	sld [smem:$0x3FFC];
	_ =	sdelay $0x3  }
0x94: {  	_ =	strace s3  }
0x95: {  	s3 =	sld [smem:$0x3FFD];
	_ =	sdelay $0x3  }
0x96: {  	_ =	strace s3  }
0x97: {  	_ =	strace $0x8FFFFFFF  }
0x98: {  	s19 =	sld [smem:$0x3FDB];
	_ =	sdelay $0x1  }
0x99: {  	s4 =	simm.s32 $_scs_section_size  }
0x9a: {  	s5 =	simm.s32 $_size__tile_overlayer_lowered;
	s6 =	simm.s32 $_tile_overlayer_lowered  }
0x9b: {  	s22 =	simm.s32 $0x1BFF;
	s21 =	sshll.u32 s6, $0x1;
	s3 =	sadd.s32 s4, s19  }
0x9c: {  	s7 =	simm.s32 $0x0;
	s20 =	sshll.u32 s5, $0x1;
	s5 =	sadd.s32 s21, s3  }
0x9d: {  	[timem:s7], [sflag:s22] =	dma.local [hbm:s5], s20  }
0x9e: {  	_ =	swait.ge [sflag:s22], s20  }
0x9f: {  	s4 =	ssub.s32 $0x0, s20;
	[sflag:s22] =	ssyncset.done $0x0  }
0xa0: {  	[sflag:s22] =	ssyncadd.s32 s4;
	_ =	sdelay $0x1  }
0xa1: {  	s23 =	simm.s32 $0x1B8B  }
0xa2: {  	_ =	swait.ge [sflag:s23], $0x1  }
0xa3: {  	[sflag:s23] =	ssyncset.done $0x0  }
0xa4: {  	s25 =	simm.s32 $0x1B8E;
	s24 =	sld [smem:$0x3FFE];
	[sflag:s23] =	ssyncadd.s32 $0xFFFFFFFF  }
0xa5: {  	s26 =	simm.s32 $execute0_lowered;
	[smem:$0x3FD2] =	sst s25  }
0xa6: {  	s5 =	sshll.u32 s26, $0x1;
	_ =	strace $0x80000046;
	[dreg:$0x1] =	wrdreg $0xFFFFFFFF  }
0xa7: {  	s28 =	simm.s32 $_size_execute0_lowered;
	s3 =	sadd.s32 s3, s5;
	[dreg:$0x0] =	wrdreg $0x0  }
0xa8: {  	s5 =	sshll.u32 s28, $0x1;
	[dreg:$0x2] =	wrdreg s3  }
0xa9: {  	[dreg:$0x3] =	wrdreg s5  }
0xaa: {  	[dreg:$0x4] =	wrdreg $0xC0  }
0xab: {  	_ =	task [dreg:s7], $0x5FFFF  }
0xac: {  	[dreg:$0x1] =	wrdreg $0xFFFFFFFF  }
0xad: {  	[dreg:$0x0] =	wrdreg $0x60  }
0xae: {  	[dreg:$0x2] =	wrdreg s2  }
0xaf: {  	[dreg:$0x3] =	wrdreg s24  }
0xb0: {  	[dreg:$0x4] =	wrdreg $0x0  }
0xb1: {  	[dreg:$0x5] =	wrdreg $0x9  }
0xb2: {  	_ =	task.clear_ibuf [dreg:s7], $0x6FFFF;
	_ =	strace $0x90000046  }
0xb3: {  	s29 =	simm.s32 $0x9;
	_ =	strace $0x80000048  }
0xb4: {  	_ =	swait.ge [sflag:s29], $0x1  }
0xb5: {  	[sflag:s29] =	ssyncadd.s32 $0xFFFFFFFF  }
0xb6: {  	_ =	strace $0x90000048  }
0xb7: {  	_ =	sfence  }
0xb8: {  	s30 =	sld [smem:$0x0];
	_ =	sdelay $0x2  }
0xb9: {  	s31 =	sshll.u32 s1, $0xD;
	s1 =	sshrl.u32 s1, $0x2  }
0xba: {  	s3 =	sand.u32 $0x4000, s31;
	s1 =	sadd.s32 s1, s30  }
0xbb: {  	s0 =	sor.u32 s3, s0;
	s1 =	sshll.u32 s1, $0x11  }
0xbc: {  	s0 =	sor.u32 s1, s0  }
0xbd: {  	s0 =	sadd.s32 $0x8F2B, s0  }
0xbe: {  	[sflag:s0] =	ssyncadd.remote.s32 $0x1  }
0xbf: {  	_ =	sfence.sel $0xFFFF  }
0xc0: {  	[dreg:$0x0] =	wrdreg $0xFFFFFFFF;
	(pc) =	sbr.abs _section_cstart, $3  }
0xc1: {  	[dreg:$0x1] =	wrdreg $0xFFFFFFFF  }
0xc2: {  	_ =	task.clear_ibuf [dreg:s7], $0x2FFFF;
	_ =	strace $0x9FFFFFFF  }
0xc3: {  	(tm) =	ssettm $0x7FFFFFFF  }
tec
execute0_lowered:
.L_overlay_start_1:
0x0: {  	(tag) =	ssettag $0x1  }
0x1: {  	s1 =	rddreg [dreg:$0x0]  }
0x2: {  	s0 =	rddreg [dreg:$0x1]  }
0x3: {  	s3 =	rddreg [dreg:$0x2];
	s4 =	simm.s32 $0x0;
	s10 =	stileid.u32  }
0x4: {  	s6 =	srdreg.scid;
	s28 =	simm.s32 $0x14080;
	s2 =	smul.u32 $0x4F000, s10  }
0x5: {  	s29 =	simm.s32 $0x80;
	s30 =	simm.s32 $0x1;
	s5 =	smul.u32 $0x9E0, s10  }
0x6: {  	s31 =	simm.s32 $0x18100;
	[smem:$0x7FF] =	sst s4;
	s8 =	smul.u32 $0x50000, s10  }
0x7: {  	s7 =	sand.u32 $0x1, s6;
	s9 =	sadd.s32 $0x15C00, s0;
	s18 =	smul.u32 $0x14000, s10  }
0x8: {  	_ =	strace $0x80000047;
	s6 =	ssub.s32 $0x2, s7;
	[dreg:$0x4] =	wrdreg s9  }
0x9: {  	s19 =	smul.u32 $0x140000, s7;
	s2 =	sadd.s32 s2, s0;
	s5 =	sadd.s32 s5, s0  }
0xa: {  	s0 =	sadd.s32 $0x16400, s0;
	s20 =	sshrl.u32 s6, $0x1;
	s21 =	sshrl.u32 s8, $0x2  }
0xb: {  	s13 =	sadd.s32 $0x4000, s18;
	s15 =	sadd.s32 $0x8000, s18;
	s9 =	ssub.s32 s6, s20  }
0xc: {  	s6 =	sadd.s32 s21, s3;
	s12 =	sadd.s32 s19, s18;
	s14 =	sadd.s32 s19, s13  }
0xd: {  	s16 =	sadd.s32 s19, s15;
	s13 =	sadd.s32 s13, s3;
	s21 =	smul.u32 $0x27800, s7  }
0xe: {  	s15 =	sadd.s32 s15, s3;
	s20 =	sadd.s32 $0xC000, s18;
	s7 =	smul.u32 $0x4F0, s7  }
0xf: {  	s22 =	smax.u32 s9, $0x1;
	s23 =	sadd.s32 $0x4000, s6;
	s24 =	sadd.s32 $0x8000, s6  }
0x10: {  	s25 =	sadd.s32 $0xC000, s6;
	s11 =	sadd.s32 $0x10000, s6;
	[dreg:$0x5] =	wrdreg s22  }
0x11: {  	s12 =	sshrl.u32 s12, $0x3;
	s14 =	sshrl.u32 s14, $0x3;
	[dreg:$0x6] =	wrdreg s23  }
0x12: {  	s16 =	sshrl.u32 s16, $0x3;
	s17 =	sadd.s32 s20, s3;
	[dreg:$0x7] =	wrdreg s24  }
0x13: {  	s20 =	sadd.s32 s19, s20;
	[dreg:$0x8] =	wrdreg s25;
	s12 =	sadd.s32 s0, s12  }
0x14: {  	s14 =	sadd.s32 s0, s14;
	s16 =	sadd.s32 s0, s16;
	s20 =	sshrl.u32 s20, $0x3  }
0x15: {  	s22 =	sadd.s32 $0x10000, s18;
	s2 =	sadd.s32 s21, s2;
	s5 =	sadd.s32 s7, s5  }
0x16: {  	s24 =	simm.s32 $0x14100;
	s25 =	simm.s32 $0x2;
	s18 =	sadd.s32 s0, s20  }
0x17: {  	s26 =	sadd.s32 s19, s22;
	s19 =	sadd.s32 s22, s3;
	s21 =	sadd.s32 $0x9E7C00, s2  }
0x18: {  	s22 =	sadd.s32 $0xBE00, s5;
	s23 =	sadd.s32 $0x2000, s5;
	s20 =	sshrl.u32 s26, $0x3  }
0x19: {  	s26 =	simm.s32 $0x14000;
	s20 =	sadd.s32 s0, s20;
	s0 =	simm.s32 $0x0  }
.LBB2_1:
0x1a: {  	s2 =	rddreg [dreg:$0x4]  }
0x1b: {  	[tilespmem:s24], [sflag:$0x2] =	stream.linear.gather [hbm4b:s2+s4], $0x4000, $0x38;
	[tilespmem:$0x1C100] =	vst v63  }
0x1c: {  	_ =	swait.ge [sflag:s25], $0x4000  }
0x1d: {  	[sflag:s25] =	ssyncset.done $0x0  }
0x1e: {  	[sflag:s25] =	ssyncadd.s32 $0xFFFFC000  }
0x1f: {  	[spmem:s6] =	stream.linear.scatter [tilespmem:s24], [sflag:$0x2], $0x4000, $0x38;
	[tilespmem:$0x1C100] =	vst v63  }
0x20: {  	_ =	swait.ge [sflag:s25], $0x4000  }
0x21: {  	[sflag:s25] =	ssyncset.done $0x0  }
0x22: {  	s5 =	rddreg [dreg:$0x6];
	[sflag:s25] =	ssyncadd.s32 $0xFFFFC000  }
0x23: {  	[spmem:s5] =	stream.linear.scatter [tilespmem:s24], [sflag:$0x2], $0x4000, $0x38;
	[tilespmem:$0x1C100] =	vst v63  }
0x24: {  	_ =	swait.ge [sflag:s25], $0x4000  }
0x25: {  	[sflag:s25] =	ssyncset.done $0x0  }
0x26: {  	s7 =	rddreg [dreg:$0x7];
	[sflag:s25] =	ssyncadd.s32 $0xFFFFC000  }
0x27: {  	[spmem:s7] =	stream.linear.scatter [tilespmem:s24], [sflag:$0x2], $0x4000, $0x38;
	[tilespmem:$0x1C100] =	vst v63  }
0x28: {  	_ =	swait.ge [sflag:s25], $0x4000  }
0x29: {  	[sflag:s25] =	ssyncset.done $0x0  }
0x2a: {  	s8 =	rddreg [dreg:$0x8];
	[sflag:s25] =	ssyncadd.s32 $0xFFFFC000  }
0x2b: {  	[spmem:s8] =	stream.linear.scatter [tilespmem:s24], [sflag:$0x2], $0x4000, $0x38;
	[tilespmem:$0x1C100] =	vst v63  }
0x2c: {  	_ =	swait.ge [sflag:s25], $0x4000  }
0x2d: {  	[sflag:s25] =	ssyncset.done $0x0  }
0x2e: {  	[sflag:s25] =	ssyncadd.s32 $0xFFFFC000  }
0x2f: {  	[spmem:s11] =	stream.linear.scatter [tilespmem:s24], [sflag:$0x2], $0x4000, $0x38;
	[tilespmem:$0x1C100] =	vst v63  }
0x30: {  	_ =	swait.ge [sflag:s25], $0x4000  }
0x31: {  	[sflag:s25] =	ssyncset.done $0x0  }
0x32: {  	[sflag:s25] =	ssyncadd.s32 $0xFFFFC000  }
0x33: {  	s9 =	sadd.s32 $0x0, s22;
	[bflag:$0x0] =	sbarrier.arrive $0xFFFF  }
0x34: {  	[tilespmem:s26], [sflag:$0x2] =	stream.linear.gather [hbm4b:s9+s4], $0x80, $0x38;
	[tilespmem:$0x1C100] =	vst v63  }
0x35: {  	_ =	swait.ge [sflag:s25], $0x80  }
0x36: {  	[sflag:s25] =	ssyncset.done $0x0  }
0x37: {  	s10 =	sadd.s32 $0x0, s23;
	[sflag:s25] =	ssyncadd.s32 $0xFFFFFF80  }
0x38: {  	[tilespmem:s28], [sflag:$0x2] =	stream.linear.gather [hbm4b:s10+s4], $0x80, $0x38;
	[tilespmem:$0x1C100] =	vst v63  }
0x39: {  	_ =	swait.ge [sflag:s25], $0x80  }
0x3a: {  	[sflag:s25] =	ssyncset.done $0x0  }
0x3b: {  	[sflag:s25] =	ssyncadd.s32 $0xFFFFFF80  }
0x3c: {  	[tilespmem:s24], [sflag:$0x1] =	stream.indirect.gather [hbm4b:s1+s29], $0x80, s26, s29, $0xb8;
	[tilespmem:$0x1C100] =	vst v63  }
0x3d: {  	_ =	swait.ge [sflag:s30], $0x4000  }
0x3e: {  	[sflag:s30] =	ssyncset.done $0x0  }
0x3f: {  	[sflag:s30] =	ssyncadd.s32 $0xFFFFC000  }
0x40: {  	[spmem:s3] =	stream.indirect.scatter.add.f32 [tilespmem:s24], [sflag:$0x2], $0x80, s28, s29, $0xb8;
	[tilespmem:$0x1C100] =	vst v63  }
0x41: {  	_ =	swait.ge [sflag:s25], $0x4000  }
0x42: {  	[sflag:s25] =	ssyncset.done $0x0  }
0x43: {  	[sflag:s25] =	ssyncadd.s32 $0xFFFFC000  }
0x44: {  	[tilespmem:s31], [sflag:$0x2] =	stream.linear.gather [hbm4b:s21+s4], $0x4000, $0x38;
	[tilespmem:$0x1C100] =	vst v63  }
0x45: {  	_ =	swait.ge [sflag:s25], $0x4000  }
0x46: {  	[sflag:s25] =	ssyncset.done $0x0  }
0x47: {  	[sflag:s25] =	ssyncadd.s32 $0xFFFFC000  }
0x48: {  	[spmem:s3] =	stream.indirect.scatter.add.f32 [tilespmem:s31], [sflag:$0x2], $0x80, s28, s29, $0xb8;
	[tilespmem:$0x1C100] =	vst v63  }
0x49: {  	s2 =	sadd.s32 $0x800, s21;
	_ =	swait.ge [sflag:s25], $0x4000  }
0x4a: {  	s5 =	simm.s32 $0x10;
	s7 =	simm.s32 $0x20;
	[sflag:s25] =	ssyncset.done $0x0  }
.LBB2_2:
0x4b: {  	s8 =	sadd.s32 s5, s22  }
0x4c: {  	[sflag:s25] =	ssyncadd.s32 $0xFFFFC000;
	s9 =	smov.u32 s7;
	s10 =	sadd.s32 $0x10, s7  }
0x4d: {  	[tilespmem:s26], [sflag:$0x2] =	stream.linear.gather [hbm4b:s8+s4], $0x80, $0x38;
	[tilespmem:$0x1C100] =	vst v63  }
0x4e: {  	p0 =	sne.s32 s7, $0x4E0;
	_ =	swait.ge [sflag:s25], $0x80  }
0x4f: {  	[sflag:s25] =	ssyncset.done $0x0  }
0x50: {  	s7 =	sadd.s32 s5, s23;
	s5 =	smov.u32 s9;
	[sflag:s25] =	ssyncadd.s32 $0xFFFFFF80  }
0x51: {  	[tilespmem:s28], [sflag:$0x2] =	stream.linear.gather [hbm4b:s7+s4], $0x80, $0x38;
	[tilespmem:$0x1C100] =	vst v63  }
0x52: {  	_ =	swait.ge [sflag:s25], $0x80  }
0x53: {  	[sflag:s25] =	ssyncset.done $0x0  }
0x54: {  	[sflag:s25] =	ssyncadd.s32 $0xFFFFFF80  }
0x55: {  	[tilespmem:s24], [sflag:$0x1] =	stream.indirect.gather [hbm4b:s1+s29], $0x80, s26, s29, $0xb8;
	[tilespmem:$0x1C100] =	vst v63  }
0x56: {  	_ =	swait.ge [sflag:s30], $0x4000  }
0x57: {  	[sflag:s30] =	ssyncset.done $0x0  }
0x58: {  	[sflag:s30] =	ssyncadd.s32 $0xFFFFC000  }
0x59: {  	[spmem:s3] =	stream.indirect.scatter.add.f32 [tilespmem:s24], [sflag:$0x2], $0x80, s28, s29, $0xb8;
	[tilespmem:$0x1C100] =	vst v63  }
0x5a: {  	_ =	swait.ge [sflag:s25], $0x4000  }
0x5b: {  	[sflag:s25] =	ssyncset.done $0x0  }
0x5c: {  	[sflag:s25] =	ssyncadd.s32 $0xFFFFC000  }
0x5d: {  	[tilespmem:s31], [sflag:$0x2] =	stream.linear.gather [hbm4b:s2+s4], $0x4000, $0x38;
	[tilespmem:$0x1C100] =	vst v63  }
0x5e: {  	_ =	swait.ge [sflag:s25], $0x4000  }
.Ltmp0:
0x5f: {  	[sflag:s25] =	ssyncset.done $0x0;
	(pc) =	sbr.rel @p0 .LBB2_2-.Ltmp0, $4  }
0x60: {  	[sflag:s25] =	ssyncadd.s32 $0xFFFFC000  }
0x61: {  	[spmem:s3] =	stream.indirect.scatter.add.f32 [tilespmem:s31], [sflag:$0x2], $0x80, s28, s29, $0xb8;
	[tilespmem:$0x1C100] =	vst v63  }
0x62: {  	_ =	swait.ge [sflag:s25], $0x4000  }
0x63: {  	s7 =	smov.u32 s10;
	s2 =	sadd.s32 $0x800, s2;
	[sflag:s25] =	ssyncset.done $0x0  }
0x64: {  	s7 =	sadd.s32 s5, s22;
	[sflag:s25] =	ssyncadd.s32 $0xFFFFC000  }
0x65: {  	[tilespmem:s26], [sflag:$0x2] =	stream.linear.gather [hbm4b:s7+s4], $0x80, $0x38;
	[tilespmem:$0x1C100] =	vst v63  }
0x66: {  	_ =	swait.ge [sflag:s25], $0x80  }
0x67: {  	[sflag:s25] =	ssyncset.done $0x0  }
0x68: {  	s9 =	sadd.s32 s5, s23;
	[sflag:s25] =	ssyncadd.s32 $0xFFFFFF80  }
0x69: {  	[tilespmem:s28], [sflag:$0x2] =	stream.linear.gather [hbm4b:s9+s4], $0x80, $0x38;
	[tilespmem:$0x1C100] =	vst v63  }
0x6a: {  	_ =	swait.ge [sflag:s25], $0x80  }
0x6b: {  	[sflag:s25] =	ssyncset.done $0x0  }
0x6c: {  	[sflag:s25] =	ssyncadd.s32 $0xFFFFFF80  }
0x6d: {  	[tilespmem:s24], [sflag:$0x1] =	stream.indirect.gather [hbm4b:s1+s29], $0x80, s26, s29, $0xb8;
	[tilespmem:$0x1C100] =	vst v63  }
0x6e: {  	_ =	swait.ge [sflag:s30], $0x4000  }
0x6f: {  	[sflag:s30] =	ssyncset.done $0x0  }
0x70: {  	[sflag:s30] =	ssyncadd.s32 $0xFFFFC000  }
0x71: {  	[spmem:s3] =	stream.indirect.scatter.add.f32 [tilespmem:s24], [sflag:$0x2], $0x80, s28, s29, $0xb8;
	[tilespmem:$0x1C100] =	vst v63  }
0x72: {  	_ =	swait.ge [sflag:s25], $0x4000  }
0x73: {  	[sflag:s25] =	ssyncset.done $0x0  }
0x74: {  	[sflag:s25] =	ssyncadd.s32 $0xFFFFC000  }
0x75: {  	[tilespmem:s31], [sflag:$0x2] =	stream.linear.gather [hbm4b:s2+s4], $0x4000, $0x38;
	[tilespmem:$0x1C100] =	vst v63  }
0x76: {  	_ =	swait.ge [sflag:s25], $0x4000  }
0x77: {  	[sflag:s25] =	ssyncset.done $0x0  }
0x78: {  	[sflag:s25] =	ssyncadd.s32 $0xFFFFC000  }
0x79: {  	[spmem:s3] =	stream.indirect.scatter.add.f32 [tilespmem:s31], [sflag:$0x2], $0x80, s28, s29, $0xb8;
	[tilespmem:$0x1C100] =	vst v63  }
0x7a: {  	_ =	swait.ge [sflag:s25], $0x4000  }
0x7b: {  	[sflag:s25] =	ssyncset.done $0x0  }
0x7c: {  	[sflag:s25] =	ssyncadd.s32 $0xFFFFC000  }
0x7d: {  	[bflag:$0x0] =	sbarrier.arrive $0xFFFF  }
0x7e: {  	[tilespmem:s24], [sflag:$0x2] =	stream.linear.gather [spmem:s6], $0x4000, $0x38;
	[tilespmem:$0x1C100] =	vst v63  }
0x7f: {  	_ =	swait.ge [sflag:s25], $0x4000  }
0x80: {  	[sflag:s25] =	ssyncset.done $0x0  }
0x81: {  	[sflag:s25] =	ssyncadd.s32 $0xFFFFC000  }
0x82: {  	[hbm4b:s12+s4] =	stream.linear.scatter [tilespmem:s24], [sflag:$0x2], $0x4000, $0x38;
	[tilespmem:$0x1C100] =	vst v63  }
0x83: {  	_ =	swait.ge [sflag:s25], $0x4000  }
0x84: {  	[sflag:s25] =	ssyncset.done $0x0  }
0x85: {  	[sflag:s25] =	ssyncadd.s32 $0xFFFFC000  }
0x86: {  	[tilespmem:s24], [sflag:$0x2] =	stream.linear.gather [spmem:s13], $0x4000, $0x38;
	[tilespmem:$0x1C100] =	vst v63  }
0x87: {  	_ =	swait.ge [sflag:s25], $0x4000  }
0x88: {  	[sflag:s25] =	ssyncset.done $0x0  }
0x89: {  	[sflag:s25] =	ssyncadd.s32 $0xFFFFC000  }
0x8a: {  	[hbm4b:s14+s4] =	stream.linear.scatter [tilespmem:s24], [sflag:$0x2], $0x4000, $0x38;
	[tilespmem:$0x1C100] =	vst v63  }
0x8b: {  	_ =	swait.ge [sflag:s25], $0x4000  }
0x8c: {  	[sflag:s25] =	ssyncset.done $0x0  }
0x8d: {  	[sflag:s25] =	ssyncadd.s32 $0xFFFFC000  }
0x8e: {  	[tilespmem:s24], [sflag:$0x2] =	stream.linear.gather [spmem:s15], $0x4000, $0x38;
	[tilespmem:$0x1C100] =	vst v63  }
0x8f: {  	_ =	swait.ge [sflag:s25], $0x4000  }
0x90: {  	[sflag:s25] =	ssyncset.done $0x0  }
0x91: {  	[sflag:s25] =	ssyncadd.s32 $0xFFFFC000  }
0x92: {  	[hbm4b:s16+s4] =	stream.linear.scatter [tilespmem:s24], [sflag:$0x2], $0x4000, $0x38;
	[tilespmem:$0x1C100] =	vst v63  }
0x93: {  	_ =	swait.ge [sflag:s25], $0x4000  }
0x94: {  	[sflag:s25] =	ssyncset.done $0x0  }
0x95: {  	[sflag:s25] =	ssyncadd.s32 $0xFFFFC000  }
0x96: {  	[tilespmem:s24], [sflag:$0x2] =	stream.linear.gather [spmem:s17], $0x4000, $0x38;
	[tilespmem:$0x1C100] =	vst v63  }
0x97: {  	_ =	swait.ge [sflag:s25], $0x4000  }
0x98: {  	[sflag:s25] =	ssyncset.done $0x0  }
0x99: {  	[sflag:s25] =	ssyncadd.s32 $0xFFFFC000  }
0x9a: {  	[hbm4b:s18+s4] =	stream.linear.scatter [tilespmem:s24], [sflag:$0x2], $0x4000, $0x38;
	[tilespmem:$0x1C100] =	vst v63  }
0x9b: {  	_ =	swait.ge [sflag:s25], $0x4000  }
0x9c: {  	[sflag:s25] =	ssyncset.done $0x0  }
0x9d: {  	[sflag:s25] =	ssyncadd.s32 $0xFFFFC000  }
0x9e: {  	[tilespmem:s24], [sflag:$0x2] =	stream.linear.gather [spmem:s19], $0x4000, $0x38;
	[tilespmem:$0x1C100] =	vst v63  }
0x9f: {  	_ =	swait.ge [sflag:s25], $0x4000  }
0xa0: {  	[sflag:s25] =	ssyncset.done $0x0  }
0xa1: {  	[sflag:s25] =	ssyncadd.s32 $0xFFFFC000  }
0xa2: {  	[hbm4b:s20+s4] =	stream.linear.scatter [tilespmem:s24], [sflag:$0x2], $0x4000, $0x38;
	[tilespmem:$0x1C100] =	vst v63  }
0xa3: {  	_ =	swait.ge [sflag:s25], $0x4000  }
0xa4: {  	s0 =	sadd.s32 $0x1, s0;
	s10 =	rddreg [dreg:$0x5]  }
0xa5: {  	p0 =	sne.s32 s0, s10  }
.Ltmp1:
0xa6: {  	_ = 	snop;
	(pc) =	sbr.rel @p0 .LBB2_1-.Ltmp1, $3  }
0xa7: {  	_ =	sdelay $0x1  }
0xa8: {  	[sflag:s25] =	ssyncset.done $0x0  }
0xa9: {  	[sflag:s25] =	ssyncadd.s32 $0xFFFFC000  }
0xaa: {  	_ =	sfence.sel $0x180000  }
0xab: {  	[bflag:$0x0] =	sbarrier.arrive $0xFFFF  }
0xac: {  	_ =	strace $0x90000047  }
0xad: {  	s0 =	stileid.u32;
	[bflag:$0x2] =	sbarrier.arrive $0xFFFF  }
0xae: {  	p0 =	sne.s32 s0, $0x0;
	s0 =	rddreg [dreg:$0x3]  }
0xaf: {  	s0 =	sadd.s32 @!p0 $0x100000, s0  }
0xb0: {  	[sflag:s0] =	ssyncadd.tile.s32 @!p0 $0x1;
	_ =	shalt  }
.Lfunc_end2:
_tile_overlayer_lowered:
.L_overlay_start_2:
0xb1: {  	(tag) =	ssettag $0x2  }
0xb2: {  	s0 =	rddreg [dreg:$0x0];
	s2 =	stileid.u32  }
0xb3: {  	s1 =	rddreg [dreg:$0x1];
	p0 =	sne.s32 s2, $0x0  }
0xb4: {  	s3 =	rddreg [dreg:$0x2];
	[bflag:$0x3] =	sbarrier.arrive $0xFFFF;
	s2 =	simm.s32 @!p0 $0x1C02  }
0xb5: {  	[timem:s3], [sflag:s2] =	dma.local @!p0 [hbm:s0], s1  }
0xb6: {  	s0 =	simm.s32 @!p0 $0x2  }
0xb7: {  	_ =	swait.ge @!p0 [sflag:s0], s1  }
0xb8: {  	s1 =	ssub.s32 @!p0 $0x0, s1;
	[sflag:s0] =	ssyncset.done @!p0 $0x0  }
0xb9: {  	[sflag:s0] =	ssyncadd.s32 @!p0 s1  }
0xba: {  	[bflag:$0x3] =	sbarrier.arrive $0xFFFF  }
0xbb: {  	_ =	shalt  }

</sc_bundles>
